<compile_context>
chip_gen: v7x
topology: tpu7x:2x2x1
jax: 0.10.2.dev20260603
libtpu: 0.0.44.dev20260713+nightly
codegen_flags: <defaults>
</compile_context>

<pallas_src>
import functools

import jax
import jax.numpy as jnp
from jax import lax
from jax.experimental import pallas as pl
from jax.experimental.pallas import tpu as pltpu
from jax.experimental.pallas import tpu_sc as plsc

D_MODEL = 2048
NEG_INF = float("-inf")


_NC = 2
_NS = 16
_NW = _NC * _NS

_CHUNK = 16


_NBUF = 3


def _make_sc_gather(n_tokens: int, d: int):
    assert n_tokens % _NW == 0
    per_w = n_tokens // _NW
    assert per_w % _CHUNK == 0
    n_chunks = per_w // _CHUNK
    mesh = plsc.VectorSubcoreMesh(core_axis_name="c", subcore_axis_name="s")

    @functools.partial(
        pl.kernel,
        mesh=mesh,
        out_type=jax.ShapeDtypeStruct((n_tokens, d), jnp.float32),
        scratch_types=[
            pltpu.VMEM((per_w,), jnp.int32),
        ]
        + [pltpu.VMEM((_CHUNK, d), jnp.float32) for _ in range(_NBUF)]
        + [pltpu.SemaphoreType.DMA for _ in range(2 * _NBUF)],
        cost_estimate=pl.CostEstimate(
            flops=0, transcendentals=0,
            bytes_accessed=2 * n_tokens * d * 4),
    )
    def gather_kernel(idx_hbm, table_hbm, out_hbm, idx_v, *scratch):
        bufs = scratch[:_NBUF]
        rsems = scratch[_NBUF:2 * _NBUF]
        wsems = scratch[2 * _NBUF:]
        wid = lax.axis_index("s") * _NC + lax.axis_index("c")
        base = wid * per_w
        pltpu.sync_copy(idx_hbm.at[pl.ds(base, per_w)], idx_v)

        def read(c, b):
            pltpu.async_copy(
                table_hbm.at[idx_v.at[pl.ds(c * _CHUNK, _CHUNK)]],
                bufs[b], rsems[b])

        for b in range(_NBUF):
            read(b, b)
        for c in range(n_chunks):
            b = c % _NBUF
            pltpu.make_async_copy(
                table_hbm.at[idx_v.at[pl.ds(c * _CHUNK, _CHUNK)]],
                bufs[b], rsems[b]).wait()
            if c + _NBUF < n_chunks:
                read(c + _NBUF, b)
        pltpu.sync_copy(bufs[(n_chunks - 1) % _NBUF],
                        out_hbm.at[pl.ds(base, _CHUNK)])

    return gather_kernel



_BLK_T = 256


def _mask_pos_kernel(amask_ref, attn_ref, pos_ref, *, t_len, n_b):
    b = pl.program_id(0)
    t = pl.program_id(1)
    shape = (1, 1, _BLK_T, t_len)
    i = lax.broadcasted_iota(jnp.int32, shape, 2) + t * _BLK_T
    j = lax.broadcasted_iota(jnp.int32, shape, 3)
    pad = (amask_ref[...] == 0).reshape(1, 1, 1, t_len)
    masked = (j > i) | pad
    attn_ref[...] = jnp.where(masked, NEG_INF, 0.0)

    @pl.when((b == 0) & (t == 0))
    def _():
        pos_ref[...] = lax.broadcasted_iota(jnp.int32, (3, n_b, t_len), 2)


def _make_mask_pos(n_b: int, t_len: int):
    grid = (n_b, t_len // _BLK_T)
    return pl.pallas_call(
        functools.partial(_mask_pos_kernel, t_len=t_len, n_b=n_b),
        grid=grid,
        in_specs=[pl.BlockSpec((1, 1, t_len), lambda b, t: (b, 0, 0))],
        out_specs=[
            pl.BlockSpec((1, 1, _BLK_T, t_len), lambda b, t: (b, 0, t, 0)),
            pl.BlockSpec((3, n_b, t_len), lambda b, t: (0, 0, 0)),
        ],
        out_shape=[
            jax.ShapeDtypeStruct((n_b, 1, t_len, t_len), jnp.float32),
            jax.ShapeDtypeStruct((3, n_b, t_len), jnp.int32),
        ],
    )



def kernel(input_ids, attention_mask, embed_table):
    n_b, t_len = input_ids.shape
    idx = input_ids.reshape(-1).astype(jnp.int32)
    table = embed_table.astype(jnp.float32)

    attn_4d, position_ids = _make_mask_pos(n_b, t_len)(
        attention_mask.astype(jnp.int32).reshape(n_b, 1, t_len))

    hidden_flat = _make_sc_gather(n_b * t_len, D_MODEL)(idx, table)
    hidden = hidden_flat.reshape(n_b, t_len, D_MODEL)

    return (hidden, attn_4d, position_ids, input_ids, attention_mask)

# --- scband reference (transcript-rebuilt; emitter-appended) ---
"""Pipeline reference for scband-text-stage-62732292326060 (READ-ONLY COPY).

The authoritative reference and input builder live on the scoring server;
editing this copy changes nothing except your own understanding.
"""

import jax, jax.numpy as jnp
import numpy as np

VOCAB = 32000
D_MODEL = 2048
B = 4
T = 2048

def setup_inputs(seed: int = 0) -> dict:
    key = jax.random.key(seed)
    k1, k2 = jax.random.split(key)
    input_ids = jax.random.randint(k1, (B, T), 0, VOCAB, dtype=jnp.int64 if jax.config.jax_enable_x64 else jnp.int32)
    attention_mask = jnp.ones((B, T), dtype=input_ids.dtype)
    embed_table = jax.random.normal(k2, (VOCAB, D_MODEL), dtype=jnp.float32) * 0.02
    return {"input_ids": input_ids, "attention_mask": attention_mask, "embed_table": embed_table}

def build_causal(mask_len):
    m = jnp.triu(jnp.full((mask_len, mask_len), float('-inf'), dtype=jnp.float32), k=1)
    return m[None, None, :, :]

def reference(input_ids, attention_mask, embed_table):
    Bv, Tv = input_ids.shape
    # embedding lookup: hidden = embed_tokens(input_ids)
    hidden = jnp.take(embed_table, input_ids, axis=0)
    # causal mask [1,1,T,T] expanded to [B,1,T,T]
    attn_4d = jnp.broadcast_to(build_causal(Tv), (Bv, 1, Tv, Tv))
    # pad masking: positions where attention_mask == 0 get -inf
    pad = (attention_mask == 0).reshape(Bv, 1, 1, Tv)
    attn_4d = jnp.where(pad, float('-inf'), attn_4d)
    # position ids: stack of three copies of arange
    base_pos = jnp.tile(jnp.arange(Tv)[None, :], (Bv, 1))
    position_ids = jnp.stack([base_pos, base_pos, base_pos], axis=0)
    return (hidden, attn_4d, position_ids, input_ids, attention_mask)

if __name__ == "__main__":
    import jax
    _d = setup_inputs()
    print(jax.jit(kernel)(*tuple(_d.values())))

</pallas_src>

<mosaic_0001>
#map = affine_map<(d0, d1) -> (0)>
#map1 = affine_map<(d0, d1) -> (0, 0)>
module attributes {stable_mosaic.version = 14 : i64} {
  func.func @gather_kernel(%arg0: i32, %arg1: i32, %arg2: memref<8192xi32, #tpu.memory_space<hbm>>, %arg3: memref<32000x2048xf32, #tpu.memory_space<hbm>>, %arg4: memref<8192x2048xf32, #tpu.memory_space<hbm>>, %arg5: memref<256xi32, #tpu.memory_space<vmem>>, %arg6: memref<16x2048xf32, #tpu.memory_space<vmem>>, %arg7: memref<16x2048xf32, #tpu.memory_space<vmem>>, %arg8: memref<16x2048xf32, #tpu.memory_space<vmem>>, %arg9: memref<!tpu.dma_semaphore, #tpu.memory_space<semaphore_mem>>, %arg10: memref<!tpu.dma_semaphore, #tpu.memory_space<semaphore_mem>>, %arg11: memref<!tpu.dma_semaphore, #tpu.memory_space<semaphore_mem>>, %arg12: memref<!tpu.dma_semaphore, #tpu.memory_space<semaphore_mem>>, %arg13: memref<!tpu.dma_semaphore, #tpu.memory_space<semaphore_mem>>, %arg14: memref<!tpu.dma_semaphore, #tpu.memory_space<semaphore_mem>>) attributes {dimension_semantics = [#tpu.dimension_semantics<core_parallel>, #tpu.dimension_semantics<subcore_parallel>], iteration_bounds = array<i64: 2, 16>, scalar_prefetch = 0 : i64, scratch_operands = 10 : i64, tpu.core_type = #tpu.core_type<sc_vector_subcore>, window_params = [{transform_indices = #map}, {transform_indices = #map1}, {transform_indices = #map1}]} {
    %mul3A = arith.constant 2 : i32
    %mul3A_0 = arith.muli %arg1, %mul3A : i32
    %add3A = arith.addi %mul3A_0, %arg0 : i32
    %mul3A_1 = arith.constant 256 : i32
    %mul3A_2 = arith.muli %add3A, %mul3A_1 : i32
    "tpu.region"() ({
      %run_scoped3A = tpu.sem_alloc : memref<!tpu.dma_semaphore, #tpu.memory_space<semaphore_mem>>
      %dma_start3A_161 = tpu.memref_slice %arg2[%mul3A_2] : memref<8192xi32, #tpu.memory_space<hbm>> -> memref<256xi32, #tpu.memory_space<hbm>>
      %dma_start3A_162 = tpu.memref_slice %arg2[%mul3A_2] : memref<8192xi32, #tpu.memory_space<hbm>> -> memref<256xi32, #tpu.memory_space<hbm>>
      tpu.enqueue_dma source(%dma_start3A_162 : memref<256xi32, #tpu.memory_space<hbm>>) target(%arg5 : memref<256xi32, #tpu.memory_space<vmem>>) target_semaphore(%run_scoped3A : memref<!tpu.dma_semaphore, #tpu.memory_space<semaphore_mem>>)
      %dma_wait3A_163 = tpu.memref_slice %arg2[%mul3A_2] : memref<8192xi32, #tpu.memory_space<hbm>> -> memref<256xi32, #tpu.memory_space<hbm>>
      %dma_wait3A_164 = tpu.memref_slice %arg2[%mul3A_2] : memref<8192xi32, #tpu.memory_space<hbm>> -> memref<256xi32, #tpu.memory_space<hbm>>
      tpu.wait_dma2 semaphore(%run_scoped3A : memref<!tpu.dma_semaphore, #tpu.memory_space<semaphore_mem>>) src(%dma_wait3A_164 : memref<256xi32, #tpu.memory_space<hbm>>) dst(%arg5 : memref<256xi32, #tpu.memory_space<vmem>>)
      tpu.yield
    }) : () -> ()
    %dma_start3A = arith.constant 0 : i32
    %dma_start3A_3 = tpu.memref_slice %arg5[%dma_start3A] : memref<256xi32, #tpu.memory_space<vmem>> -> memref<16xi32, #tpu.memory_space<vmem>>
    %dma_start3A_4 = arith.constant 0 : i32
    %dma_start3A_5 = arith.constant 0 : i32
    %dma_start3A_6 = tpu.memref_slice %arg3[%dma_start3A_4, %dma_start3A_5] : memref<32000x2048xf32, #tpu.memory_space<hbm>> -> memref<32000x2048xf32, #tpu.memory_space<hbm>>
    tpu.enqueue_indirect_dma source(%dma_start3A_6 : memref<32000x2048xf32, #tpu.memory_space<hbm>>) target(%arg6 : memref<16x2048xf32, #tpu.memory_space<vmem>>) offsets(%dma_start3A_3 : memref<16xi32, #tpu.memory_space<vmem>>) semaphore(%arg9 : memref<!tpu.dma_semaphore, #tpu.memory_space<semaphore_mem>>)
    %dma_start3A_7 = arith.constant 16 : i32
    %dma_start3A_8 = tpu.memref_slice %arg5[%dma_start3A_7] : memref<256xi32, #tpu.memory_space<vmem>> -> memref<16xi32, #tpu.memory_space<vmem>>
    %dma_start3A_9 = arith.constant 0 : i32
    %dma_start3A_10 = arith.constant 0 : i32
    %dma_start3A_11 = tpu.memref_slice %arg3[%dma_start3A_9, %dma_start3A_10] : memref<32000x2048xf32, #tpu.memory_space<hbm>> -> memref<32000x2048xf32, #tpu.memory_space<hbm>>
    tpu.enqueue_indirect_dma source(%dma_start3A_11 : memref<32000x2048xf32, #tpu.memory_space<hbm>>) target(%arg7 : memref<16x2048xf32, #tpu.memory_space<vmem>>) offsets(%dma_start3A_8 : memref<16xi32, #tpu.memory_space<vmem>>) semaphore(%arg10 : memref<!tpu.dma_semaphore, #tpu.memory_space<semaphore_mem>>)
    %dma_start3A_12 = arith.constant 32 : i32
    %dma_start3A_13 = tpu.memref_slice %arg5[%dma_start3A_12] : memref<256xi32, #tpu.memory_space<vmem>> -> memref<16xi32, #tpu.memory_space<vmem>>
    %dma_start3A_14 = arith.constant 0 : i32
    %dma_start3A_15 = arith.constant 0 : i32
    %dma_start3A_16 = tpu.memref_slice %arg3[%dma_start3A_14, %dma_start3A_15] : memref<32000x2048xf32, #tpu.memory_space<hbm>> -> memref<32000x2048xf32, #tpu.memory_space<hbm>>
    tpu.enqueue_indirect_dma source(%dma_start3A_16 : memref<32000x2048xf32, #tpu.memory_space<hbm>>) target(%arg8 : memref<16x2048xf32, #tpu.memory_space<vmem>>) offsets(%dma_start3A_13 : memref<16xi32, #tpu.memory_space<vmem>>) semaphore(%arg11 : memref<!tpu.dma_semaphore, #tpu.memory_space<semaphore_mem>>)
    %dma_wait3A = arith.constant 0 : i32
    %dma_wait3A_17 = tpu.memref_slice %arg5[%dma_wait3A] : memref<256xi32, #tpu.memory_space<vmem>> -> memref<16xi32, #tpu.memory_space<vmem>>
    %dma_wait3A_18 = arith.constant 0 : i32
    %dma_wait3A_19 = arith.constant 0 : i32
    %dma_wait3A_20 = tpu.memref_slice %arg3[%dma_wait3A_18, %dma_wait3A_19] : memref<32000x2048xf32, #tpu.memory_space<hbm>> -> memref<32000x2048xf32, #tpu.memory_space<hbm>>
    tpu.wait_indirect_dma semaphore(%arg9 : memref<!tpu.dma_semaphore, #tpu.memory_space<semaphore_mem>>) src(%dma_wait3A_20 : memref<32000x2048xf32, #tpu.memory_space<hbm>>) dst(%arg6 : memref<16x2048xf32, #tpu.memory_space<vmem>>)
    %dma_start3A_21 = arith.constant 48 : i32
    %dma_start3A_22 = tpu.memref_slice %arg5[%dma_start3A_21] : memref<256xi32, #tpu.memory_space<vmem>> -> memref<16xi32, #tpu.memory_space<vmem>>
    %dma_start3A_23 = arith.constant 0 : i32
    %dma_start3A_24 = arith.constant 0 : i32
    %dma_start3A_25 = tpu.memref_slice %arg3[%dma_start3A_23, %dma_start3A_24] : memref<32000x2048xf32, #tpu.memory_space<hbm>> -> memref<32000x2048xf32, #tpu.memory_space<hbm>>
    tpu.enqueue_indirect_dma source(%dma_start3A_25 : memref<32000x2048xf32, #tpu.memory_space<hbm>>) target(%arg6 : memref<16x2048xf32, #tpu.memory_space<vmem>>) offsets(%dma_start3A_22 : memref<16xi32, #tpu.memory_space<vmem>>) semaphore(%arg9 : memref<!tpu.dma_semaphore, #tpu.memory_space<semaphore_mem>>)
    %dma_wait3A_26 = arith.constant 16 : i32
    %dma_wait3A_27 = tpu.memref_slice %arg5[%dma_wait3A_26] : memref<256xi32, #tpu.memory_space<vmem>> -> memref<16xi32, #tpu.memory_space<vmem>>
    %dma_wait3A_28 = arith.constant 0 : i32
    %dma_wait3A_29 = arith.constant 0 : i32
    %dma_wait3A_30 = tpu.memref_slice %arg3[%dma_wait3A_28, %dma_wait3A_29] : memref<32000x2048xf32, #tpu.memory_space<hbm>> -> memref<32000x2048xf32, #tpu.memory_space<hbm>>
    tpu.wait_indirect_dma semaphore(%arg10 : memref<!tpu.dma_semaphore, #tpu.memory_space<semaphore_mem>>) src(%dma_wait3A_30 : memref<32000x2048xf32, #tpu.memory_space<hbm>>) dst(%arg7 : memref<16x2048xf32, #tpu.memory_space<vmem>>)
    %dma_start3A_31 = arith.constant 64 : i32
    %dma_start3A_32 = tpu.memref_slice %arg5[%dma_start3A_31] : memref<256xi32, #tpu.memory_space<vmem>> -> memref<16xi32, #tpu.memory_space<vmem>>
    %dma_start3A_33 = arith.constant 0 : i32
    %dma_start3A_34 = arith.constant 0 : i32
    %dma_start3A_35 = tpu.memref_slice %arg3[%dma_start3A_33, %dma_start3A_34] : memref<32000x2048xf32, #tpu.memory_space<hbm>> -> memref<32000x2048xf32, #tpu.memory_space<hbm>>
    tpu.enqueue_indirect_dma source(%dma_start3A_35 : memref<32000x2048xf32, #tpu.memory_space<hbm>>) target(%arg7 : memref<16x2048xf32, #tpu.memory_space<vmem>>) offsets(%dma_start3A_32 : memref<16xi32, #tpu.memory_space<vmem>>) semaphore(%arg10 : memref<!tpu.dma_semaphore, #tpu.memory_space<semaphore_mem>>)
    %dma_wait3A_36 = arith.constant 32 : i32
    %dma_wait3A_37 = tpu.memref_slice %arg5[%dma_wait3A_36] : memref<256xi32, #tpu.memory_space<vmem>> -> memref<16xi32, #tpu.memory_space<vmem>>
    %dma_wait3A_38 = arith.constant 0 : i32
    %dma_wait3A_39 = arith.constant 0 : i32
    %dma_wait3A_40 = tpu.memref_slice %arg3[%dma_wait3A_38, %dma_wait3A_39] : memref<32000x2048xf32, #tpu.memory_space<hbm>> -> memref<32000x2048xf32, #tpu.memory_space<hbm>>
    tpu.wait_indirect_dma semaphore(%arg11 : memref<!tpu.dma_semaphore, #tpu.memory_space<semaphore_mem>>) src(%dma_wait3A_40 : memref<32000x2048xf32, #tpu.memory_space<hbm>>) dst(%arg8 : memref<16x2048xf32, #tpu.memory_space<vmem>>)
    %dma_start3A_41 = arith.constant 80 : i32
    %dma_start3A_42 = tpu.memref_slice %arg5[%dma_start3A_41] : memref<256xi32, #tpu.memory_space<vmem>> -> memref<16xi32, #tpu.memory_space<vmem>>
    %dma_start3A_43 = arith.constant 0 : i32
    %dma_start3A_44 = arith.constant 0 : i32
    %dma_start3A_45 = tpu.memref_slice %arg3[%dma_start3A_43, %dma_start3A_44] : memref<32000x2048xf32, #tpu.memory_space<hbm>> -> memref<32000x2048xf32, #tpu.memory_space<hbm>>
    tpu.enqueue_indirect_dma source(%dma_start3A_45 : memref<32000x2048xf32, #tpu.memory_space<hbm>>) target(%arg8 : memref<16x2048xf32, #tpu.memory_space<vmem>>) offsets(%dma_start3A_42 : memref<16xi32, #tpu.memory_space<vmem>>) semaphore(%arg11 : memref<!tpu.dma_semaphore, #tpu.memory_space<semaphore_mem>>)
    %dma_wait3A_46 = arith.constant 48 : i32
    %dma_wait3A_47 = tpu.memref_slice %arg5[%dma_wait3A_46] : memref<256xi32, #tpu.memory_space<vmem>> -> memref<16xi32, #tpu.memory_space<vmem>>
    %dma_wait3A_48 = arith.constant 0 : i32
    %dma_wait3A_49 = arith.constant 0 : i32
    %dma_wait3A_50 = tpu.memref_slice %arg3[%dma_wait3A_48, %dma_wait3A_49] : memref<32000x2048xf32, #tpu.memory_space<hbm>> -> memref<32000x2048xf32, #tpu.memory_space<hbm>>
    tpu.wait_indirect_dma semaphore(%arg9 : memref<!tpu.dma_semaphore, #tpu.memory_space<semaphore_mem>>) src(%dma_wait3A_50 : memref<32000x2048xf32, #tpu.memory_space<hbm>>) dst(%arg6 : memref<16x2048xf32, #tpu.memory_space<vmem>>)
    %dma_start3A_51 = arith.constant 96 : i32
    %dma_start3A_52 = tpu.memref_slice %arg5[%dma_start3A_51] : memref<256xi32, #tpu.memory_space<vmem>> -> memref<16xi32, #tpu.memory_space<vmem>>
    %dma_start3A_53 = arith.constant 0 : i32
    %dma_start3A_54 = arith.constant 0 : i32
    %dma_start3A_55 = tpu.memref_slice %arg3[%dma_start3A_53, %dma_start3A_54] : memref<32000x2048xf32, #tpu.memory_space<hbm>> -> memref<32000x2048xf32, #tpu.memory_space<hbm>>
    tpu.enqueue_indirect_dma source(%dma_start3A_55 : memref<32000x2048xf32, #tpu.memory_space<hbm>>) target(%arg6 : memref<16x2048xf32, #tpu.memory_space<vmem>>) offsets(%dma_start3A_52 : memref<16xi32, #tpu.memory_space<vmem>>) semaphore(%arg9 : memref<!tpu.dma_semaphore, #tpu.memory_space<semaphore_mem>>)
    %dma_wait3A_56 = arith.constant 64 : i32
    %dma_wait3A_57 = tpu.memref_slice %arg5[%dma_wait3A_56] : memref<256xi32, #tpu.memory_space<vmem>> -> memref<16xi32, #tpu.memory_space<vmem>>
    %dma_wait3A_58 = arith.constant 0 : i32
    %dma_wait3A_59 = arith.constant 0 : i32
    %dma_wait3A_60 = tpu.memref_slice %arg3[%dma_wait3A_58, %dma_wait3A_59] : memref<32000x2048xf32, #tpu.memory_space<hbm>> -> memref<32000x2048xf32, #tpu.memory_space<hbm>>
    tpu.wait_indirect_dma semaphore(%arg10 : memref<!tpu.dma_semaphore, #tpu.memory_space<semaphore_mem>>) src(%dma_wait3A_60 : memref<32000x2048xf32, #tpu.memory_space<hbm>>) dst(%arg7 : memref<16x2048xf32, #tpu.memory_space<vmem>>)
    %dma_start3A_61 = arith.constant 112 : i32
    %dma_start3A_62 = tpu.memref_slice %arg5[%dma_start3A_61] : memref<256xi32, #tpu.memory_space<vmem>> -> memref<16xi32, #tpu.memory_space<vmem>>
    %dma_start3A_63 = arith.constant 0 : i32
    %dma_start3A_64 = arith.constant 0 : i32
    %dma_start3A_65 = tpu.memref_slice %arg3[%dma_start3A_63, %dma_start3A_64] : memref<32000x2048xf32, #tpu.memory_space<hbm>> -> memref<32000x2048xf32, #tpu.memory_space<hbm>>
    tpu.enqueue_indirect_dma source(%dma_start3A_65 : memref<32000x2048xf32, #tpu.memory_space<hbm>>) target(%arg7 : memref<16x2048xf32, #tpu.memory_space<vmem>>) offsets(%dma_start3A_62 : memref<16xi32, #tpu.memory_space<vmem>>) semaphore(%arg10 : memref<!tpu.dma_semaphore, #tpu.memory_space<semaphore_mem>>)
    %dma_wait3A_66 = arith.constant 80 : i32
    %dma_wait3A_67 = tpu.memref_slice %arg5[%dma_wait3A_66] : memref<256xi32, #tpu.memory_space<vmem>> -> memref<16xi32, #tpu.memory_space<vmem>>
    %dma_wait3A_68 = arith.constant 0 : i32
    %dma_wait3A_69 = arith.constant 0 : i32
    %dma_wait3A_70 = tpu.memref_slice %arg3[%dma_wait3A_68, %dma_wait3A_69] : memref<32000x2048xf32, #tpu.memory_space<hbm>> -> memref<32000x2048xf32, #tpu.memory_space<hbm>>
    tpu.wait_indirect_dma semaphore(%arg11 : memref<!tpu.dma_semaphore, #tpu.memory_space<semaphore_mem>>) src(%dma_wait3A_70 : memref<32000x2048xf32, #tpu.memory_space<hbm>>) dst(%arg8 : memref<16x2048xf32, #tpu.memory_space<vmem>>)
    %dma_start3A_71 = arith.constant 128 : i32
    %dma_start3A_72 = tpu.memref_slice %arg5[%dma_start3A_71] : memref<256xi32, #tpu.memory_space<vmem>> -> memref<16xi32, #tpu.memory_space<vmem>>
    %dma_start3A_73 = arith.constant 0 : i32
    %dma_start3A_74 = arith.constant 0 : i32
    %dma_start3A_75 = tpu.memref_slice %arg3[%dma_start3A_73, %dma_start3A_74] : memref<32000x2048xf32, #tpu.memory_space<hbm>> -> memref<32000x2048xf32, #tpu.memory_space<hbm>>
    tpu.enqueue_indirect_dma source(%dma_start3A_75 : memref<32000x2048xf32, #tpu.memory_space<hbm>>) target(%arg8 : memref<16x2048xf32, #tpu.memory_space<vmem>>) offsets(%dma_start3A_72 : memref<16xi32, #tpu.memory_space<vmem>>) semaphore(%arg11 : memref<!tpu.dma_semaphore, #tpu.memory_space<semaphore_mem>>)
    %dma_wait3A_76 = arith.constant 96 : i32
    %dma_wait3A_77 = tpu.memref_slice %arg5[%dma_wait3A_76] : memref<256xi32, #tpu.memory_space<vmem>> -> memref<16xi32, #tpu.memory_space<vmem>>
    %dma_wait3A_78 = arith.constant 0 : i32
    %dma_wait3A_79 = arith.constant 0 : i32
    %dma_wait3A_80 = tpu.memref_slice %arg3[%dma_wait3A_78, %dma_wait3A_79] : memref<32000x2048xf32, #tpu.memory_space<hbm>> -> memref<32000x2048xf32, #tpu.memory_space<hbm>>
    tpu.wait_indirect_dma semaphore(%arg9 : memref<!tpu.dma_semaphore, #tpu.memory_space<semaphore_mem>>) src(%dma_wait3A_80 : memref<32000x2048xf32, #tpu.memory_space<hbm>>) dst(%arg6 : memref<16x2048xf32, #tpu.memory_space<vmem>>)
    %dma_start3A_81 = arith.constant 144 : i32
    %dma_start3A_82 = tpu.memref_slice %arg5[%dma_start3A_81] : memref<256xi32, #tpu.memory_space<vmem>> -> memref<16xi32, #tpu.memory_space<vmem>>
    %dma_start3A_83 = arith.constant 0 : i32
    %dma_start3A_84 = arith.constant 0 : i32
    %dma_start3A_85 = tpu.memref_slice %arg3[%dma_start3A_83, %dma_start3A_84] : memref<32000x2048xf32, #tpu.memory_space<hbm>> -> memref<32000x2048xf32, #tpu.memory_space<hbm>>
    tpu.enqueue_indirect_dma source(%dma_start3A_85 : memref<32000x2048xf32, #tpu.memory_space<hbm>>) target(%arg6 : memref<16x2048xf32, #tpu.memory_space<vmem>>) offsets(%dma_start3A_82 : memref<16xi32, #tpu.memory_space<vmem>>) semaphore(%arg9 : memref<!tpu.dma_semaphore, #tpu.memory_space<semaphore_mem>>)
    %dma_wait3A_86 = arith.constant 112 : i32
    %dma_wait3A_87 = tpu.memref_slice %arg5[%dma_wait3A_86] : memref<256xi32, #tpu.memory_space<vmem>> -> memref<16xi32, #tpu.memory_space<vmem>>
    %dma_wait3A_88 = arith.constant 0 : i32
    %dma_wait3A_89 = arith.constant 0 : i32
    %dma_wait3A_90 = tpu.memref_slice %arg3[%dma_wait3A_88, %dma_wait3A_89] : memref<32000x2048xf32, #tpu.memory_space<hbm>> -> memref<32000x2048xf32, #tpu.memory_space<hbm>>
    tpu.wait_indirect_dma semaphore(%arg10 : memref<!tpu.dma_semaphore, #tpu.memory_space<semaphore_mem>>) src(%dma_wait3A_90 : memref<32000x2048xf32, #tpu.memory_space<hbm>>) dst(%arg7 : memref<16x2048xf32, #tpu.memory_space<vmem>>)
    %dma_start3A_91 = arith.constant 160 : i32
    %dma_start3A_92 = tpu.memref_slice %arg5[%dma_start3A_91] : memref<256xi32, #tpu.memory_space<vmem>> -> memref<16xi32, #tpu.memory_space<vmem>>
    %dma_start3A_93 = arith.constant 0 : i32
    %dma_start3A_94 = arith.constant 0 : i32
    %dma_start3A_95 = tpu.memref_slice %arg3[%dma_start3A_93, %dma_start3A_94] : memref<32000x2048xf32, #tpu.memory_space<hbm>> -> memref<32000x2048xf32, #tpu.memory_space<hbm>>
    tpu.enqueue_indirect_dma source(%dma_start3A_95 : memref<32000x2048xf32, #tpu.memory_space<hbm>>) target(%arg7 : memref<16x2048xf32, #tpu.memory_space<vmem>>) offsets(%dma_start3A_92 : memref<16xi32, #tpu.memory_space<vmem>>) semaphore(%arg10 : memref<!tpu.dma_semaphore, #tpu.memory_space<semaphore_mem>>)
    %dma_wait3A_96 = arith.constant 128 : i32
    %dma_wait3A_97 = tpu.memref_slice %arg5[%dma_wait3A_96] : memref<256xi32, #tpu.memory_space<vmem>> -> memref<16xi32, #tpu.memory_space<vmem>>
    %dma_wait3A_98 = arith.constant 0 : i32
    %dma_wait3A_99 = arith.constant 0 : i32
    %dma_wait3A_100 = tpu.memref_slice %arg3[%dma_wait3A_98, %dma_wait3A_99] : memref<32000x2048xf32, #tpu.memory_space<hbm>> -> memref<32000x2048xf32, #tpu.memory_space<hbm>>
    tpu.wait_indirect_dma semaphore(%arg11 : memref<!tpu.dma_semaphore, #tpu.memory_space<semaphore_mem>>) src(%dma_wait3A_100 : memref<32000x2048xf32, #tpu.memory_space<hbm>>) dst(%arg8 : memref<16x2048xf32, #tpu.memory_space<vmem>>)
    %dma_start3A_101 = arith.constant 176 : i32
    %dma_start3A_102 = tpu.memref_slice %arg5[%dma_start3A_101] : memref<256xi32, #tpu.memory_space<vmem>> -> memref<16xi32, #tpu.memory_space<vmem>>
    %dma_start3A_103 = arith.constant 0 : i32
    %dma_start3A_104 = arith.constant 0 : i32
    %dma_start3A_105 = tpu.memref_slice %arg3[%dma_start3A_103, %dma_start3A_104] : memref<32000x2048xf32, #tpu.memory_space<hbm>> -> memref<32000x2048xf32, #tpu.memory_space<hbm>>
    tpu.enqueue_indirect_dma source(%dma_start3A_105 : memref<32000x2048xf32, #tpu.memory_space<hbm>>) target(%arg8 : memref<16x2048xf32, #tpu.memory_space<vmem>>) offsets(%dma_start3A_102 : memref<16xi32, #tpu.memory_space<vmem>>) semaphore(%arg11 : memref<!tpu.dma_semaphore, #tpu.memory_space<semaphore_mem>>)
    %dma_wait3A_106 = arith.constant 144 : i32
    %dma_wait3A_107 = tpu.memref_slice %arg5[%dma_wait3A_106] : memref<256xi32, #tpu.memory_space<vmem>> -> memref<16xi32, #tpu.memory_space<vmem>>
    %dma_wait3A_108 = arith.constant 0 : i32
    %dma_wait3A_109 = arith.constant 0 : i32
    %dma_wait3A_110 = tpu.memref_slice %arg3[%dma_wait3A_108, %dma_wait3A_109] : memref<32000x2048xf32, #tpu.memory_space<hbm>> -> memref<32000x2048xf32, #tpu.memory_space<hbm>>
    tpu.wait_indirect_dma semaphore(%arg9 : memref<!tpu.dma_semaphore, #tpu.memory_space<semaphore_mem>>) src(%dma_wait3A_110 : memref<32000x2048xf32, #tpu.memory_space<hbm>>) dst(%arg6 : memref<16x2048xf32, #tpu.memory_space<vmem>>)
    %dma_start3A_111 = arith.constant 192 : i32
    %dma_start3A_112 = tpu.memref_slice %arg5[%dma_start3A_111] : memref<256xi32, #tpu.memory_space<vmem>> -> memref<16xi32, #tpu.memory_space<vmem>>
    %dma_start3A_113 = arith.constant 0 : i32
    %dma_start3A_114 = arith.constant 0 : i32
    %dma_start3A_115 = tpu.memref_slice %arg3[%dma_start3A_113, %dma_start3A_114] : memref<32000x2048xf32, #tpu.memory_space<hbm>> -> memref<32000x2048xf32, #tpu.memory_space<hbm>>
    tpu.enqueue_indirect_dma source(%dma_start3A_115 : memref<32000x2048xf32, #tpu.memory_space<hbm>>) target(%arg6 : memref<16x2048xf32, #tpu.memory_space<vmem>>) offsets(%dma_start3A_112 : memref<16xi32, #tpu.memory_space<vmem>>) semaphore(%arg9 : memref<!tpu.dma_semaphore, #tpu.memory_space<semaphore_mem>>)
    %dma_wait3A_116 = arith.constant 160 : i32
    %dma_wait3A_117 = tpu.memref_slice %arg5[%dma_wait3A_116] : memref<256xi32, #tpu.memory_space<vmem>> -> memref<16xi32, #tpu.memory_space<vmem>>
    %dma_wait3A_118 = arith.constant 0 : i32
    %dma_wait3A_119 = arith.constant 0 : i32
    %dma_wait3A_120 = tpu.memref_slice %arg3[%dma_wait3A_118, %dma_wait3A_119] : memref<32000x2048xf32, #tpu.memory_space<hbm>> -> memref<32000x2048xf32, #tpu.memory_space<hbm>>
    tpu.wait_indirect_dma semaphore(%arg10 : memref<!tpu.dma_semaphore, #tpu.memory_space<semaphore_mem>>) src(%dma_wait3A_120 : memref<32000x2048xf32, #tpu.memory_space<hbm>>) dst(%arg7 : memref<16x2048xf32, #tpu.memory_space<vmem>>)
    %dma_start3A_121 = arith.constant 208 : i32
    %dma_start3A_122 = tpu.memref_slice %arg5[%dma_start3A_121] : memref<256xi32, #tpu.memory_space<vmem>> -> memref<16xi32, #tpu.memory_space<vmem>>
    %dma_start3A_123 = arith.constant 0 : i32
    %dma_start3A_124 = arith.constant 0 : i32
    %dma_start3A_125 = tpu.memref_slice %arg3[%dma_start3A_123, %dma_start3A_124] : memref<32000x2048xf32, #tpu.memory_space<hbm>> -> memref<32000x2048xf32, #tpu.memory_space<hbm>>
    tpu.enqueue_indirect_dma source(%dma_start3A_125 : memref<32000x2048xf32, #tpu.memory_space<hbm>>) target(%arg7 : memref<16x2048xf32, #tpu.memory_space<vmem>>) offsets(%dma_start3A_122 : memref<16xi32, #tpu.memory_space<vmem>>) semaphore(%arg10 : memref<!tpu.dma_semaphore, #tpu.memory_space<semaphore_mem>>)
    %dma_wait3A_126 = arith.constant 176 : i32
    %dma_wait3A_127 = tpu.memref_slice %arg5[%dma_wait3A_126] : memref<256xi32, #tpu.memory_space<vmem>> -> memref<16xi32, #tpu.memory_space<vmem>>
    %dma_wait3A_128 = arith.constant 0 : i32
    %dma_wait3A_129 = arith.constant 0 : i32
    %dma_wait3A_130 = tpu.memref_slice %arg3[%dma_wait3A_128, %dma_wait3A_129] : memref<32000x2048xf32, #tpu.memory_space<hbm>> -> memref<32000x2048xf32, #tpu.memory_space<hbm>>
    tpu.wait_indirect_dma semaphore(%arg11 : memref<!tpu.dma_semaphore, #tpu.memory_space<semaphore_mem>>) src(%dma_wait3A_130 : memref<32000x2048xf32, #tpu.memory_space<hbm>>) dst(%arg8 : memref<16x2048xf32, #tpu.memory_space<vmem>>)
    %dma_start3A_131 = arith.constant 224 : i32
    %dma_start3A_132 = tpu.memref_slice %arg5[%dma_start3A_131] : memref<256xi32, #tpu.memory_space<vmem>> -> memref<16xi32, #tpu.memory_space<vmem>>
    %dma_start3A_133 = arith.constant 0 : i32
    %dma_start3A_134 = arith.constant 0 : i32
    %dma_start3A_135 = tpu.memref_slice %arg3[%dma_start3A_133, %dma_start3A_134] : memref<32000x2048xf32, #tpu.memory_space<hbm>> -> memref<32000x2048xf32, #tpu.memory_space<hbm>>
    tpu.enqueue_indirect_dma source(%dma_start3A_135 : memref<32000x2048xf32, #tpu.memory_space<hbm>>) target(%arg8 : memref<16x2048xf32, #tpu.memory_space<vmem>>) offsets(%dma_start3A_132 : memref<16xi32, #tpu.memory_space<vmem>>) semaphore(%arg11 : memref<!tpu.dma_semaphore, #tpu.memory_space<semaphore_mem>>)
    %dma_wait3A_136 = arith.constant 192 : i32
    %dma_wait3A_137 = tpu.memref_slice %arg5[%dma_wait3A_136] : memref<256xi32, #tpu.memory_space<vmem>> -> memref<16xi32, #tpu.memory_space<vmem>>
    %dma_wait3A_138 = arith.constant 0 : i32
    %dma_wait3A_139 = arith.constant 0 : i32
    %dma_wait3A_140 = tpu.memref_slice %arg3[%dma_wait3A_138, %dma_wait3A_139] : memref<32000x2048xf32, #tpu.memory_space<hbm>> -> memref<32000x2048xf32, #tpu.memory_space<hbm>>
    tpu.wait_indirect_dma semaphore(%arg9 : memref<!tpu.dma_semaphore, #tpu.memory_space<semaphore_mem>>) src(%dma_wait3A_140 : memref<32000x2048xf32, #tpu.memory_space<hbm>>) dst(%arg6 : memref<16x2048xf32, #tpu.memory_space<vmem>>)
    %dma_start3A_141 = arith.constant 240 : i32
    %dma_start3A_142 = tpu.memref_slice %arg5[%dma_start3A_141] : memref<256xi32, #tpu.memory_space<vmem>> -> memref<16xi32, #tpu.memory_space<vmem>>
    %dma_start3A_143 = arith.constant 0 : i32
    %dma_start3A_144 = arith.constant 0 : i32
    %dma_start3A_145 = tpu.memref_slice %arg3[%dma_start3A_143, %dma_start3A_144] : memref<32000x2048xf32, #tpu.memory_space<hbm>> -> memref<32000x2048xf32, #tpu.memory_space<hbm>>
    tpu.enqueue_indirect_dma source(%dma_start3A_145 : memref<32000x2048xf32, #tpu.memory_space<hbm>>) target(%arg6 : memref<16x2048xf32, #tpu.memory_space<vmem>>) offsets(%dma_start3A_142 : memref<16xi32, #tpu.memory_space<vmem>>) semaphore(%arg9 : memref<!tpu.dma_semaphore, #tpu.memory_space<semaphore_mem>>)
    %dma_wait3A_146 = arith.constant 208 : i32
    %dma_wait3A_147 = tpu.memref_slice %arg5[%dma_wait3A_146] : memref<256xi32, #tpu.memory_space<vmem>> -> memref<16xi32, #tpu.memory_space<vmem>>
    %dma_wait3A_148 = arith.constant 0 : i32
    %dma_wait3A_149 = arith.constant 0 : i32
    %dma_wait3A_150 = tpu.memref_slice %arg3[%dma_wait3A_148, %dma_wait3A_149] : memref<32000x2048xf32, #tpu.memory_space<hbm>> -> memref<32000x2048xf32, #tpu.memory_space<hbm>>
    tpu.wait_indirect_dma semaphore(%arg10 : memref<!tpu.dma_semaphore, #tpu.memory_space<semaphore_mem>>) src(%dma_wait3A_150 : memref<32000x2048xf32, #tpu.memory_space<hbm>>) dst(%arg7 : memref<16x2048xf32, #tpu.memory_space<vmem>>)
    %dma_wait3A_151 = arith.constant 224 : i32
    %dma_wait3A_152 = tpu.memref_slice %arg5[%dma_wait3A_151] : memref<256xi32, #tpu.memory_space<vmem>> -> memref<16xi32, #tpu.memory_space<vmem>>
    %dma_wait3A_153 = arith.constant 0 : i32
    %dma_wait3A_154 = arith.constant 0 : i32
    %dma_wait3A_155 = tpu.memref_slice %arg3[%dma_wait3A_153, %dma_wait3A_154] : memref<32000x2048xf32, #tpu.memory_space<hbm>> -> memref<32000x2048xf32, #tpu.memory_space<hbm>>
    tpu.wait_indirect_dma semaphore(%arg11 : memref<!tpu.dma_semaphore, #tpu.memory_space<semaphore_mem>>) src(%dma_wait3A_155 : memref<32000x2048xf32, #tpu.memory_space<hbm>>) dst(%arg8 : memref<16x2048xf32, #tpu.memory_space<vmem>>)
    %dma_wait3A_156 = arith.constant 240 : i32
    %dma_wait3A_157 = tpu.memref_slice %arg5[%dma_wait3A_156] : memref<256xi32, #tpu.memory_space<vmem>> -> memref<16xi32, #tpu.memory_space<vmem>>
    %dma_wait3A_158 = arith.constant 0 : i32
    %dma_wait3A_159 = arith.constant 0 : i32
    %dma_wait3A_160 = tpu.memref_slice %arg3[%dma_wait3A_158, %dma_wait3A_159] : memref<32000x2048xf32, #tpu.memory_space<hbm>> -> memref<32000x2048xf32, #tpu.memory_space<hbm>>
    tpu.wait_indirect_dma semaphore(%arg9 : memref<!tpu.dma_semaphore, #tpu.memory_space<semaphore_mem>>) src(%dma_wait3A_160 : memref<32000x2048xf32, #tpu.memory_space<hbm>>) dst(%arg6 : memref<16x2048xf32, #tpu.memory_space<vmem>>)
    "tpu.region"() ({
      %run_scoped3A = tpu.sem_alloc : memref<!tpu.dma_semaphore, #tpu.memory_space<semaphore_mem>>
      %dma_start3A_161 = arith.constant 0 : i32
      %dma_start3A_162 = tpu.memref_slice %arg4[%mul3A_2, %dma_start3A_161] : memref<8192x2048xf32, #tpu.memory_space<hbm>> -> memref<16x2048xf32, #tpu.memory_space<hbm>>
      %dma_start3A_163 = arith.constant 0 : i32
      %dma_start3A_164 = tpu.memref_slice %arg4[%mul3A_2, %dma_start3A_163] : memref<8192x2048xf32, #tpu.memory_space<hbm>> -> memref<16x2048xf32, #tpu.memory_space<hbm>>
      tpu.enqueue_dma source(%arg6 : memref<16x2048xf32, #tpu.memory_space<vmem>>) target(%dma_start3A_164 : memref<16x2048xf32, #tpu.memory_space<hbm>>) target_semaphore(%run_scoped3A : memref<!tpu.dma_semaphore, #tpu.memory_space<semaphore_mem>>)
      %dma_wait3A_165 = arith.constant 0 : i32
      %dma_wait3A_166 = tpu.memref_slice %arg4[%mul3A_2, %dma_wait3A_165] : memref<8192x2048xf32, #tpu.memory_space<hbm>> -> memref<16x2048xf32, #tpu.memory_space<hbm>>
      %dma_wait3A_167 = arith.constant 0 : i32
      %dma_wait3A_168 = tpu.memref_slice %arg4[%mul3A_2, %dma_wait3A_167] : memref<8192x2048xf32, #tpu.memory_space<hbm>> -> memref<16x2048xf32, #tpu.memory_space<hbm>>
      tpu.wait_dma2 semaphore(%run_scoped3A : memref<!tpu.dma_semaphore, #tpu.memory_space<semaphore_mem>>) src(%arg6 : memref<16x2048xf32, #tpu.memory_space<vmem>>) dst(%dma_wait3A_168 : memref<16x2048xf32, #tpu.memory_space<hbm>>)
      tpu.yield
    }) : () -> ()
    return
  }
}

module attributes {stable_mosaic.version = 14 : i64} {
  func.func @_mask_pos_kernel(%arg0: i32, %arg1: i32, %arg2: memref<1x1x2048xi32, #tpu.memory_space<vmem>>, %arg3: memref<1x1x256x2048xf32, #tpu.memory_space<vmem>>, %arg4: memref<3x4x2048xi32, #tpu.memory_space<vmem>>) attributes {dimension_semantics = [#tpu.dimension_semantics<arbitrary>, #tpu.dimension_semantics<arbitrary>], iteration_bounds = array<i64: 4, 8>, scalar_prefetch = 0 : i64, scratch_operands = 0 : i64, tpu.core_type = #tpu.core_type<tc>, window_params = [{transform_indices = @transform_0, window_bounds = array<i64: 1, 1, 2048>}, {transform_indices = @transform_1, window_bounds = array<i64: 1, 1, 256, 2048>}, {pipeline_mode = #tpu.pipeline_mode<synchronous>, transform_indices = @transform_2, window_bounds = array<i64: 3, 4, 2048>}]} {
    %iota3A = tpu.iota {dimensions = array<i32: 2>} : vector<1x1x256x2048xi32>
    %mul3A = arith.constant 256 : i32
    %mul3A_0 = arith.muli %arg1, %mul3A : i32
    %add3A = vector.broadcast %mul3A_0 : i32 to vector<1x1x256x2048xi32>
    %add3A_1 = arith.addi %iota3A, %add3A : vector<1x1x256x2048xi32>
    %iota3A_2 = tpu.iota {dimensions = array<i32: 3>} : vector<1x1x256x2048xi32>
    %get3A = arith.constant 0 : index
    %get3A_3 = arith.constant 0 : index
    %get3A_4 = arith.constant 0 : index
    %get3A_5 = vector.load %arg2[%get3A, %get3A_3, %get3A_4] : memref<1x1x2048xi32, #tpu.memory_space<vmem>>, vector<1x1x2048xi32>
    %eq3A = arith.constant 0 : i32
    %eq3A_6 = vector.broadcast %eq3A : i32 to vector<1x1x2048xi32>
    %eq3A_7 = arith.cmpi eq, %get3A_5, %eq3A_6 : vector<1x1x2048xi32>
    %reshape3A = vector.shape_cast %eq3A_7 : vector<1x1x2048xi1> to vector<1x1x1x2048xi1>
    %gt3A = arith.cmpi sgt, %iota3A_2, %add3A_1 : vector<1x1x256x2048xi32>
    %or3A = vector.broadcast %reshape3A : vector<1x1x1x2048xi1> to vector<1x1x256x2048xi1>
    %or3A_8 = arith.ori %gt3A, %or3A : vector<1x1x256x2048xi1>
    %jit3A = arith.constant 0xFF800000 : f32
    %jit3A_9 = arith.constant 0.000000e+00 : f32
    %broadcast_in_dim3A = vector.broadcast %jit3A : f32 to vector<1x1x256x2048xf32>
    %broadcast_in_dim3A_10 = vector.broadcast %jit3A_9 : f32 to vector<1x1x256x2048xf32>
    %select_n3A = arith.select %or3A_8, %broadcast_in_dim3A, %broadcast_in_dim3A_10 : vector<1x1x256x2048xi1>, vector<1x1x256x2048xf32>
    %swap3A = arith.constant 0 : index
    %swap3A_11 = arith.constant 0 : index
    %swap3A_12 = arith.constant 0 : index
    %swap3A_13 = arith.constant 0 : index
    %swap3A_14 = vector.load %arg3[%swap3A, %swap3A_11, %swap3A_12, %swap3A_13] : memref<1x1x256x2048xf32, #tpu.memory_space<vmem>>, vector<1x1x256x2048xf32>
    tpu.vector_store %arg3[%swap3A, %swap3A_11, %swap3A_12, %swap3A_13], %select_n3A {strides = array<i32>} : memref<1x1x256x2048xf32, #tpu.memory_space<vmem>>, vector<1x1x256x2048xf32>,
    %eq3A_15 = arith.constant 0 : i32
    %eq3A_16 = arith.cmpi eq, %arg0, %eq3A_15 : i32
    %eq3A_17 = arith.constant 0 : i32
    %eq3A_18 = arith.cmpi eq, %arg1, %eq3A_17 : i32
    %and3A = arith.andi %eq3A_16, %eq3A_18 : i1
    %convert_element_type3A = arith.extui %and3A : i1 to i32
    %cond3A = arith.constant 0 : i32
    %cond3A_19 = arith.cmpi ne, %convert_element_type3A, %cond3A : i32
    scf.if %cond3A_19 {
      %iota3A_20 = tpu.iota {dimensions = array<i32: 2>} : vector<3x4x2048xi32>
      %swap3A_21 = arith.constant 0 : index
      %swap3A_22 = arith.constant 0 : index
      %swap3A_23 = arith.constant 0 : index
      %swap3A_24 = vector.load %arg4[%swap3A_21, %swap3A_22, %swap3A_23] : memref<3x4x2048xi32, #tpu.memory_space<vmem>>, vector<3x4x2048xi32>
      tpu.vector_store %arg4[%swap3A_21, %swap3A_22, %swap3A_23], %iota3A_20 {strides = array<i32>} : memref<3x4x2048xi32, #tpu.memory_space<vmem>>, vector<3x4x2048xi32>,
    } else {
    }
    return
  }
  func.func @transform_0(%arg0: i32, %arg1: i32) -> (i32, i32, i32) {
    %c0_i32 = arith.constant 0 : i32
    %c0_i32_0 = arith.constant 0 : i32
    %c0_i32_1 = arith.constant 0 : i32
    return %arg0, %c0_i32, %c0_i32_0 : i32, i32, i32
  }
  func.func @transform_1(%arg0: i32, %arg1: i32) -> (i32, i32, i32, i32) {
    %c0_i32 = arith.constant 0 : i32
    %c0_i32_0 = arith.constant 0 : i32
    %c0_i32_1 = arith.constant 0 : i32
    return %arg0, %c0_i32, %arg1, %c0_i32_0 : i32, i32, i32, i32
  }
  func.func @transform_2(%arg0: i32, %arg1: i32) -> (i32, i32, i32) {
    %c0_i32 = arith.constant 0 : i32
    %c0_i32_0 = arith.constant 0 : i32
    %c0_i32_1 = arith.constant 0 : i32
    %c0_i32_2 = arith.constant 0 : i32
    return %c0_i32, %c0_i32_0, %c0_i32_1 : i32, i32, i32
  }
}

</mosaic_0001>

<sc_bundles>
// kernel: kernel.4.cloned.1.call-start
scs
__scs_entry_jumppad:
0x0: {  	(pc) =	sbr.rel $0x88, $3  }
0x1: {  	(tag) =	ssettag $0x0;
	lr =	simm.s32 $0x1  }
0x2: {  	[smem:$0x3F9E] =	sst lr;
	_ =	strace $0xD0000000  }
0x3: {  	_ = 	snop  }
0x4: {  	_ = 	snop  }
0x5: {  	_ = 	snop  }
0x6: {  	_ = 	snop  }
0x7: {  	_ = 	snop  }
__scs_overlays_trampoline_lowered:
0x8: {  	[smem:$0x3FAD] =	sst s0  }
0x9: {  	[smem:$0x3FAE] =	sst s1  }
0xa: {  	[smem:$0x3FAF] =	sst s2  }
0xb: {  	[smem:$0x3FB0] =	sst s3  }
0xc: {  	[smem:$0x3FB1] =	sst s4  }
0xd: {  	[smem:$0x3FB2] =	sst s5  }
0xe: {  	[smem:$0x3FB3] =	sst s6  }
0xf: {  	[smem:$0x3FB4] =	sst s7  }
0x10: {  	[smem:$0x3FB5] =	sst s8  }
0x11: {  	[smem:$0x3FB6] =	sst s9;
	s0 =	simm.s32 @!p0 $0x0  }
0x12: {  	s1 =	sld [smem:$0x3F9C];
	s0 =	simm.s32 @p0 $0x1  }
0x13: {  	[smem:$0x3FB7] =	sst s0;
	s0 =	simm.s32 @!p1 $0x0  }
0x14: {  	s2 =	sld [smem:$0x3F9B];
	s0 =	simm.s32 @p1 $0x1  }
0x15: {  	[smem:$0x3FB8] =	sst s0;
	s0 =	simm.s32 @!p2 $0x0  }
0x16: {  	s3 =	sld [smem:$0x3FDB];
	s0 =	simm.s32 @p2 $0x1  }
0x17: {  	s4 =	simm.s32 $0x1BF5;
	[smem:$0x3FBA] =	sst s0  }
0x18: {  	s0 =	sld [smem:$0x3F9D];
	_ =	swait.ge [sflag:s4], $0x0  }
0x19: {  	s7 =	sld [smem:$0x3F9E]  }
0x1a: {  	s8 =	sadd.s32 $0xFFFFE003, lr  }
0x1b: {  	s9 =	sadd.s32 $0xFFFFFEF7, lr;
	s5 =	simm.s32 $0xFFFFFFFF;
	p2 =	slt.u32 s8, $0xFFFFF086  }
0x1c: {  	p1 =	slt.u32 s9, $0xF7A;
	s5 =	simm.s32 @!p2 $0x0  }
0x1d: {  	s5 =	simm.s32 @p1 $0x1;
	p0 =	seq.s32 s7, s2  }
0x1e: {  	s7 =	smul.u32 @!p0 $0xF7A, s2;
	p2 =	seq.s32 @!p0 s5, $0x0  }
0x1f: {  	s9 =	smul.u32 $0xF7A, s1;
	s8 =	simm.s32 @!p0 $0x1BF5;
	p2 =	por !p2, p0  }
0x20: {  	[sflag:s8] =	ssyncset.s32 @!p0 $0xFFFFF086;
	s6 =	sadd.s32 @!p0 s3, s7;
	s7 =	simm.s32 @!p0 $0x108  }
0x21: {  	s3 =	sadd.s32 s3, s9;
	s6 =	sadd.s32 @!p0 $0x88, s6;
	s7 =	simm.s32 @p2 $0x1082  }
0x22: {  	[simem:s7], [sflag:s8] =	dma.local @!p0 [hbm:s6], $0xF7A  }
0x23: {  	s9 =	sor.u32 $0xD0000000, s2;
	s6 =	simm.s32 $0x108;
	_ =	swait.ge @!p0 [sflag:s8], $0x0  }
0x24: {  	s3 =	sadd.s32 $0x88, s3;
	s6 =	simm.s32 @!p1 $0x1082;
	[sflag:s4] =	ssyncset.s32 $0xFFFFF086  }
0x25: {  	[simem:s6], [sflag:s4] =	dma.local [hbm:s3], $0xF7A  }
0x26: {  	[smem:$0x3F9E] =	sst s1;
	(tag) =	ssettag s2;
	_ =	strace s9  }
0x27: {  	s1 =	sld [smem:$0x3FAE]  }
0x28: {  	s2 =	sld [smem:$0x3FAF]  }
0x29: {  	s4 =	sld [smem:$0x3FB1]  }
0x2a: {  	p0 =	seq.s32 s5, $0x0;
	s5 =	sld [smem:$0x3FB2]  }
0x2b: {  	s6 =	sld [smem:$0x3FB3]  }
0x2c: {  	s7 =	sld [smem:$0x3FB4]  }
0x2d: {  	s3 =	simm.s32 $0x108;
	s8 =	sld [smem:$0x3FB5]  }
0x2e: {  	s3 =	simm.s32 @!p0 $0x1082;
	s9 =	sld [smem:$0x3FB6]  }
0x2f: {  	lr =	sadd.s32 s0, s3;
	s0 =	sld [smem:$0x3FAD]  }
0x30: {  	s3 =	sld [smem:$0x3FB0]  }
0x31: {  	[smem:$0x3FB9] =	sst s10  }
0x32: {  	s10 =	sld [smem:$0x3FB7];
	_ =	sdelay $0x3  }
0x33: {  	p0 =	seq.s32 s10, $0x1;
	s10 =	sld [smem:$0x3FB9];
	_ =	sdelay $0x3  }
0x34: {  	[smem:$0x3FB9] =	sst s10  }
0x35: {  	s10 =	sld [smem:$0x3FB8];
	_ =	sdelay $0x3  }
0x36: {  	p1 =	seq.s32 s10, $0x1;
	s10 =	sld [smem:$0x3FB9];
	_ =	sdelay $0x3  }
0x37: {  	[smem:$0x3FB9] =	sst s10  }
0x38: {  	s10 =	sld [smem:$0x3FBA]  }
0x39: {  	_ = 	snop;
	(pc) =	sbr.ind lr, $3  }
0x3a: {  	_ = 	snop  }
0x3b: {  	_ = 	snop  }
0x3c: {  	p2 =	seq.s32 s10, $0x1;
	s10 =	sld [smem:$0x3FB9]  }
0x3d: {  	_ =	shalt  }
0x3e: {  	_ =	shalt  }
0x3f: {  	_ =	shalt  }
0x40: {  	_ =	shalt  }
0x41: {  	_ =	shalt  }
0x42: {  	_ =	shalt  }
0x43: {  	_ =	shalt  }
0x44: {  	_ =	shalt  }
0x45: {  	_ =	shalt  }
0x46: {  	_ =	shalt  }
0x47: {  	_ =	shalt  }
0x48: {  	_ =	shalt  }
0x49: {  	_ =	shalt  }
0x4a: {  	_ =	shalt  }
0x4b: {  	_ =	shalt  }
0x4c: {  	_ =	shalt  }
0x4d: {  	_ =	shalt  }
0x4e: {  	_ =	shalt  }
0x4f: {  	_ =	shalt  }
0x50: {  	_ =	shalt  }
0x51: {  	_ =	shalt  }
0x52: {  	_ =	shalt  }
0x53: {  	_ =	shalt  }
0x54: {  	_ =	shalt  }
0x55: {  	_ =	shalt  }
0x56: {  	_ =	shalt  }
0x57: {  	_ =	shalt  }
0x58: {  	_ =	shalt  }
0x59: {  	_ =	shalt  }
0x5a: {  	_ =	shalt  }
0x5b: {  	_ =	shalt  }
0x5c: {  	_ =	shalt  }
0x5d: {  	_ =	shalt  }
0x5e: {  	_ =	shalt  }
0x5f: {  	_ =	shalt  }
0x60: {  	_ =	shalt  }
0x61: {  	_ =	shalt  }
0x62: {  	_ =	shalt  }
0x63: {  	_ =	shalt  }
0x64: {  	_ =	shalt  }
0x65: {  	_ =	shalt  }
0x66: {  	_ =	shalt  }
0x67: {  	_ =	shalt  }
0x68: {  	_ =	shalt  }
0x69: {  	_ =	shalt  }
0x6a: {  	_ =	shalt  }
0x6b: {  	_ =	shalt  }
0x6c: {  	_ =	shalt  }
0x6d: {  	_ =	shalt  }
0x6e: {  	_ =	shalt  }
0x6f: {  	_ =	shalt  }
0x70: {  	_ =	shalt  }
0x71: {  	_ =	shalt  }
0x72: {  	_ =	shalt  }
0x73: {  	_ =	shalt  }
0x74: {  	_ =	shalt  }
0x75: {  	_ =	shalt  }
0x76: {  	_ =	shalt  }
0x77: {  	_ =	shalt  }
0x78: {  	_ =	shalt  }
0x79: {  	_ =	shalt  }
0x7a: {  	_ =	shalt  }
0x7b: {  	_ =	shalt  }
0x7c: {  	_ =	shalt  }
0x7d: {  	_ =	shalt  }
0x7e: {  	_ =	shalt  }
0x7f: {  	_ =	shalt  }
0x80: {  	_ =	shalt  }
0x81: {  	_ =	shalt  }
0x82: {  	_ =	shalt  }
0x83: {  	_ =	shalt  }
0x84: {  	_ =	shalt  }
0x85: {  	_ =	shalt  }
0x86: {  	_ =	shalt  }
0x87: {  	_ =	shalt  }
.Lfunc_end0:
.L_simem_size_0:
called_computation_lowered:
.L_overlay_start_0:
0x88: {  	s2 =	sld [smem:$0x3FD9]  }
0x89: {  	s3 =	sld [smem:$0x3FFE];
	_ =	sdelay $0x1  }
0x8a: {  	s1 =	srdreg.scid  }
0x8b: {  	s0 =	sand.u32 $0x1, s1  }
0x8c: {  	s15 =	sshll.u32 s0, $0xA;
	s2 =	sadd.s32 s3, s2  }
0x8d: {  	s2 =	sadd.s32 s2, s15  }
0x8e: {  	[smem:$0x3FC5] =	sst s2  }
0x8f: {  	_ = 	snop  }
0x90: {  	s2 =	sld [smem:$0x3FD0];
	_ =	sdelay $0x2  }
0x91: {  	s4 =	simm.s32 $0xA;
	s5 =	simm.s32 $0x10;
	s16 =	sld [smem:$0x3FC7]  }
0x92: {  	[smem:s5], [sflag:s4] =	dma.local [hbm:s2], $0x1  }
0x93: {  	_ =	swait.eq [sflag:s4], $0x1  }
0x94: {  	[sflag:s4] =	ssyncset.done $0x0  }
0x95: {  	s17 =	sld [smem:$0x10];
	[sflag:s4] =	ssyncadd.s32 $0xFFFFFFFF  }
0x96: {  	s18 =	sld [smem:$0x14];
	(tm) =	ssettm $0x1  }
0x97: {  	s19 =	sld [smem:$0x3FFB];
	_ =	sdelay $0x3  }
0x98: {  	_ =	strace s19  }
0x99: {  	s5 =	sld [smem:$0x3FFC];
	_ =	sdelay $0x3  }
0x9a: {  	_ =	strace s5  }
0x9b: {  	s5 =	sld [smem:$0x3FFD];
	_ =	sdelay $0x3  }
0x9c: {  	_ =	strace s5  }
0x9d: {  	_ =	strace $0x8FFFFFFF  }
0x9e: {  	s20 =	sld [smem:$0x3FDB];
	_ =	sdelay $0x1  }
0x9f: {  	s6 =	simm.s32 $_scs_section_size  }
0xa0: {  	s7 =	simm.s32 $_size__tile_overlayer_lowered;
	s8 =	simm.s32 $_tile_overlayer_lowered  }
0xa1: {  	s23 =	simm.s32 $0x1BFF;
	s22 =	sshll.u32 s8, $0x1;
	s5 =	sadd.s32 s6, s20  }
0xa2: {  	s9 =	simm.s32 $0x0;
	s21 =	sshll.u32 s7, $0x1;
	s7 =	sadd.s32 s22, s5  }
0xa3: {  	[timem:s9], [sflag:s23] =	dma.local [hbm:s7], s21  }
0xa4: {  	_ =	swait.ge [sflag:s23], s21  }
0xa5: {  	s6 =	ssub.s32 $0x0, s21;
	[sflag:s23] =	ssyncset.done $0x0  }
0xa6: {  	[sflag:s23] =	ssyncadd.s32 s6;
	_ =	sdelay $0x1  }
0xa7: {  	s24 =	simm.s32 $0x1B8B  }
0xa8: {  	_ =	swait.ge [sflag:s24], $0x1  }
0xa9: {  	[sflag:s24] =	ssyncset.done $0x0  }
0xaa: {  	s25 =	simm.s32 $0x1B8E;
	[sflag:s24] =	ssyncadd.s32 $0xFFFFFFFF  }
0xab: {  	s26 =	simm.s32 $execute0_lowered;
	[smem:$0x3FD2] =	sst s25  }
0xac: {  	s6 =	sshll.u32 s26, $0x1;
	_ =	strace $0x80000046;
	[dreg:$0x1] =	wrdreg $0xFFFFFFFF  }
0xad: {  	s28 =	simm.s32 $_size_execute0_lowered;
	s5 =	sadd.s32 s5, s6;
	[dreg:$0x0] =	wrdreg $0x0  }
0xae: {  	s6 =	sshll.u32 s28, $0x1;
	[dreg:$0x2] =	wrdreg s5  }
0xaf: {  	[dreg:$0x3] =	wrdreg s6  }
0xb0: {  	[dreg:$0x4] =	wrdreg $0xC0  }
0xb1: {  	_ =	task [dreg:s9], $0x5FFFF  }
0xb2: {  	[dreg:$0x1] =	wrdreg $0xFFFFFFFF  }
0xb3: {  	[dreg:$0x0] =	wrdreg $0x60  }
0xb4: {  	[dreg:$0x2] =	wrdreg s18  }
0xb5: {  	[dreg:$0x3] =	wrdreg s16  }
0xb6: {  	[dreg:$0x4] =	wrdreg s17  }
0xb7: {  	[dreg:$0x5] =	wrdreg $0x9  }
0xb8: {  	_ =	task.clear_ibuf [dreg:s9], $0x6FFFF;
	_ =	strace $0x90000046  }
0xb9: {  	s29 =	simm.s32 $0x9;
	_ =	strace $0x80000048  }
0xba: {  	_ =	swait.ge [sflag:s29], $0x1  }
0xbb: {  	[sflag:s29] =	ssyncadd.s32 $0xFFFFFFFF  }
0xbc: {  	_ =	strace $0x90000048  }
0xbd: {  	_ =	sfence  }
0xbe: {  	s30 =	sld [smem:$0x0];
	_ =	sdelay $0x2  }
0xbf: {  	s31 =	sshll.u32 s1, $0xD;
	s1 =	sshrl.u32 s1, $0x2  }
0xc0: {  	s3 =	sand.u32 $0x4000, s31;
	s1 =	sadd.s32 s1, s30  }
0xc1: {  	s0 =	sor.u32 s3, s0;
	s1 =	sshll.u32 s1, $0x11  }
0xc2: {  	s0 =	sor.u32 s1, s0  }
0xc3: {  	s0 =	sadd.s32 $0x8F2B, s0  }
0xc4: {  	[sflag:s0] =	ssyncadd.remote.s32 $0x1  }
0xc5: {  	_ =	sfence.sel $0xFFFF  }
0xc6: {  	[dreg:$0x0] =	wrdreg $0xFFFFFFFF;
	(pc) =	sbr.abs _section_cstart, $3  }
0xc7: {  	[dreg:$0x1] =	wrdreg $0xFFFFFFFF  }
0xc8: {  	_ =	task.clear_ibuf [dreg:s9], $0x2FFFF;
	_ =	strace $0x9FFFFFFF  }
0xc9: {  	(tm) =	ssettm $0x7FFFFFFF  }
tec
execute0_lowered:
.L_overlay_start_1:
0x0: {  	(tag) =	ssettag $0x1  }
0x1: {  	s0 =	rddreg [dreg:$0x0]  }
0x2: {  	s1 =	srdreg.scid;
	s2 =	rddreg [dreg:$0x1]  }
0x3: {  	s3 =	stileid.u32;
	s11 =	rddreg [dreg:$0x2]  }
0x4: {  	s30 =	simm.s32 $0x1;
	s31 =	simm.s32 $0x2;
	s1 =	sand.u32 $0x1, s1  }
0x5: {  	s4 =	sshll.u32 s3, $0x9;
	s3 =	simm.s32 $0x0;
	s6 =	sadd.s32 $0x300, s2  }
0x6: {  	s7 =	sadd.s32 $0x400, s2;
	s8 =	sadd.s32 $0x500, s2;
	s10 =	sadd.s32 $0x700, s2  }
0x7: {  	s5 =	sshll.u32 s1, $0x8;
	[smem:$0x7FF] =	sst s3;
	s1 =	ssub.s32 $0x2, s1  }
0x8: {  	s9 =	sor.u32 s5, s4;
	_ =	strace $0x80000047;
	s28 =	sshrl.u32 s1, $0x1  }
0x9: {  	s5 =	sadd.s32 $0x200, s2;
	s4 =	sshrl.u32 s9, $0x3;
	s1 =	ssub.s32 s1, s28  }
0xa: {  	v2 =	vlaneseq.u32;
	s29 =	sshll.u32 s9, $0x8;
	s9 =	sadd.s32 $0x600, s2;
	s0 =	sadd.s32 s0, s4  }
0xb: {  	vm0 =	vmmov $0xffff;
	v1 =	vshrl.u32 v2, $0x3;
	s4 =	sadd.s32 $0x100, s2;
	[dreg:$0x4] =	wrdreg s0;
	s0 =	sadd.s32 s11, s29  }
0xc: {  	v0 =	vand.u32 $0x7, v2;
	v2 =	vor.u32 $0x8, v2;
	v1 =	vmul.u32 $0x8, v1;
	s11 =	smax.u32 s1, $0x1;
	s1 =	simm.s32 $0x3;
	[dreg:$0x5] =	wrdreg s0  }
.LBB2_1:
0xd: {  	[dreg:$0x6] =	wrdreg s11  }
0xe: {  	s0 =	rddreg [dreg:$0x4];
	s18 =	simm.s32 $0x4  }
0xf: {  	[tilespmem:s3], [sflag:$0x4] =	stream.linear.gather [hbm4b:s0+s3], $0x100, $0x38;
	[tilespmem:$0x18100] =	vst v63  }
0x10: {  	_ =	swait.ge [sflag:s18], $0x100  }
0x11: {  	[sflag:s18] =	ssyncset.done $0x0  }
0x12: {  	[sflag:s18] =	ssyncadd.s32 $0xFFFFFF00  }
0x13: {  	v3 =	vld [tilespmem:$0x0];
	_ =	sdelay $0x4  }
0x14: {  	v4 =	vshll.u32 v3, $0x4  }
0x15: {  	v3 =	vand.u32 $0x7, v3;
	v4 =	vand.u32 $0xFFFFFF80, v4  }
0x16: {  	v3 =	vor.u32 v3, v4  }
0x17: {  	v4 =	vperm.xlane v3, v0;
	_ =	sdelay $0x1  }
0x18: {  	v4 =	vadd.s32 v1, v4;
	_ =	sdelay $0x3  }
0x19: {  	s19 =	simm.s32 $0x100  }
0x1a: {  	[tilespmem:s19], [sflag:$0x1] =	stream.indirect_vreg.gather [hbm4b:s2+s3], $0x80, v4, vm0, $0xb8;
	[tilespmem:$0x18100] =	vst v63  }
0x1b: {  	s20 =	simm.s32 $0x900  }
0x1c: {  	[tilespmem:s20], [sflag:$0x1] =	stream.indirect_vreg.gather [hbm4b:s4+s3], $0x80, v4, vm0, $0xb8;
	[tilespmem:$0x18100] =	vst v63  }
0x1d: {  	s21 =	simm.s32 $0x1100  }
0x1e: {  	[tilespmem:s21], [sflag:$0x1] =	stream.indirect_vreg.gather [hbm4b:s5+s3], $0x80, v4, vm0, $0xb8;
	[tilespmem:$0x18100] =	vst v63  }
0x1f: {  	s22 =	simm.s32 $0x1900  }
0x20: {  	[tilespmem:s22], [sflag:$0x1] =	stream.indirect_vreg.gather [hbm4b:s6+s3], $0x80, v4, vm0, $0xb8;
	[tilespmem:$0x18100] =	vst v63  }
0x21: {  	s23 =	simm.s32 $0x2100  }
0x22: {  	[tilespmem:s23], [sflag:$0x1] =	stream.indirect_vreg.gather [hbm4b:s7+s3], $0x80, v4, vm0, $0xb8;
	[tilespmem:$0x18100] =	vst v63  }
0x23: {  	s24 =	simm.s32 $0x2900;
	v3 =	vperm.xlane v3, v2  }
0x24: {  	[tilespmem:s24], [sflag:$0x1] =	stream.indirect_vreg.gather [hbm4b:s8+s3], $0x80, v4, vm0, $0xb8;
	[tilespmem:$0x18100] =	vst v63  }
0x25: {  	s25 =	simm.s32 $0x3100;
	v3 =	vadd.s32 v1, v3  }
0x26: {  	[tilespmem:s25], [sflag:$0x1] =	stream.indirect_vreg.gather [hbm4b:s9+s3], $0x80, v4, vm0, $0xb8;
	[tilespmem:$0x18100] =	vst v63  }
0x27: {  	s26 =	simm.s32 $0x3900  }
0x28: {  	[tilespmem:s26], [sflag:$0x1] =	stream.indirect_vreg.gather [hbm4b:s10+s3], $0x80, v4, vm0, $0xb8;
	[tilespmem:$0x18100] =	vst v63  }
0x29: {  	s28 =	simm.s32 $0x4100  }
0x2a: {  	[tilespmem:s28], [sflag:$0x1] =	stream.indirect_vreg.gather [hbm4b:s2+s3], $0x80, v3, vm0, $0xb8;
	[tilespmem:$0x18100] =	vst v63  }
0x2b: {  	s29 =	simm.s32 $0x4900  }
0x2c: {  	[tilespmem:s29], [sflag:$0x1] =	stream.indirect_vreg.gather [hbm4b:s4+s3], $0x80, v3, vm0, $0xb8;
	[tilespmem:$0x18100] =	vst v63  }
0x2d: {  	s12 =	simm.s32 $0x5100  }
0x2e: {  	[tilespmem:s12], [sflag:$0x1] =	stream.indirect_vreg.gather [hbm4b:s5+s3], $0x80, v3, vm0, $0xb8;
	[tilespmem:$0x18100] =	vst v63  }
0x2f: {  	s15 =	simm.s32 $0x5900  }
0x30: {  	[tilespmem:s15], [sflag:$0x1] =	stream.indirect_vreg.gather [hbm4b:s6+s3], $0x80, v3, vm0, $0xb8;
	[tilespmem:$0x18100] =	vst v63  }
0x31: {  	s16 =	simm.s32 $0x6100  }
0x32: {  	[tilespmem:s16], [sflag:$0x1] =	stream.indirect_vreg.gather [hbm4b:s7+s3], $0x80, v3, vm0, $0xb8;
	[tilespmem:$0x18100] =	vst v63  }
0x33: {  	s17 =	simm.s32 $0x6900  }
0x34: {  	[tilespmem:s17], [sflag:$0x1] =	stream.indirect_vreg.gather [hbm4b:s8+s3], $0x80, v3, vm0, $0xb8;
	[tilespmem:$0x18100] =	vst v63  }
0x35: {  	s18 =	simm.s32 $0x7100  }
0x36: {  	[tilespmem:s18], [sflag:$0x1] =	stream.indirect_vreg.gather [hbm4b:s9+s3], $0x80, v3, vm0, $0xb8;
	[tilespmem:$0x18100] =	vst v63  }
0x37: {  	s19 =	simm.s32 $0x7900  }
0x38: {  	[tilespmem:s19], [sflag:$0x1] =	stream.indirect_vreg.gather [hbm4b:s10+s3], $0x80, v3, vm0, $0xb8;
	[tilespmem:$0x18100] =	vst v63  }
0x39: {  	v3 =	vld [tilespmem:$0x10];
	_ =	sdelay $0x4  }
0x3a: {  	v49 =	vshll.u32 v3, $0x4  }
0x3b: {  	v3 =	vand.u32 $0x7, v3;
	v4 =	vand.u32 $0xFFFFFF80, v49  }
0x3c: {  	v3 =	vor.u32 v3, v4  }
0x3d: {  	v4 =	vperm.xlane v3, v0;
	_ =	sdelay $0x1  }
0x3e: {  	v4 =	vadd.s32 v1, v4;
	_ =	sdelay $0x3  }
0x3f: {  	s20 =	simm.s32 $0x8100  }
0x40: {  	[tilespmem:s20], [sflag:$0x2] =	stream.indirect_vreg.gather [hbm4b:s2+s3], $0x80, v4, vm0, $0xb8;
	[tilespmem:$0x18100] =	vst v63  }
0x41: {  	s21 =	simm.s32 $0x8900  }
0x42: {  	[tilespmem:s21], [sflag:$0x2] =	stream.indirect_vreg.gather [hbm4b:s4+s3], $0x80, v4, vm0, $0xb8;
	[tilespmem:$0x18100] =	vst v63  }
0x43: {  	s23 =	simm.s32 $0x9100  }
0x44: {  	[tilespmem:s23], [sflag:$0x2] =	stream.indirect_vreg.gather [hbm4b:s5+s3], $0x80, v4, vm0, $0xb8;
	[tilespmem:$0x18100] =	vst v63  }
0x45: {  	s24 =	simm.s32 $0x9900  }
0x46: {  	[tilespmem:s24], [sflag:$0x2] =	stream.indirect_vreg.gather [hbm4b:s6+s3], $0x80, v4, vm0, $0xb8;
	[tilespmem:$0x18100] =	vst v63  }
0x47: {  	s25 =	simm.s32 $0xA100  }
0x48: {  	[tilespmem:s25], [sflag:$0x2] =	stream.indirect_vreg.gather [hbm4b:s7+s3], $0x80, v4, vm0, $0xb8;
	[tilespmem:$0x18100] =	vst v63  }
0x49: {  	s26 =	simm.s32 $0xA900;
	v3 =	vperm.xlane v3, v2  }
0x4a: {  	[tilespmem:s26], [sflag:$0x2] =	stream.indirect_vreg.gather [hbm4b:s8+s3], $0x80, v4, vm0, $0xb8;
	[tilespmem:$0x18100] =	vst v63  }
0x4b: {  	s28 =	simm.s32 $0xB100;
	v3 =	vadd.s32 v1, v3  }
0x4c: {  	[tilespmem:s28], [sflag:$0x2] =	stream.indirect_vreg.gather [hbm4b:s9+s3], $0x80, v4, vm0, $0xb8;
	[tilespmem:$0x18100] =	vst v63  }
0x4d: {  	s29 =	simm.s32 $0xB900  }
0x4e: {  	[tilespmem:s29], [sflag:$0x2] =	stream.indirect_vreg.gather [hbm4b:s10+s3], $0x80, v4, vm0, $0xb8;
	[tilespmem:$0x18100] =	vst v63  }
0x4f: {  	s12 =	simm.s32 $0xC100  }
0x50: {  	[tilespmem:s12], [sflag:$0x2] =	stream.indirect_vreg.gather [hbm4b:s2+s3], $0x80, v3, vm0, $0xb8;
	[tilespmem:$0x18100] =	vst v63  }
0x51: {  	s15 =	simm.s32 $0xC900  }
0x52: {  	[tilespmem:s15], [sflag:$0x2] =	stream.indirect_vreg.gather [hbm4b:s4+s3], $0x80, v3, vm0, $0xb8;
	[tilespmem:$0x18100] =	vst v63  }
0x53: {  	s16 =	simm.s32 $0xD100  }
0x54: {  	[tilespmem:s16], [sflag:$0x2] =	stream.indirect_vreg.gather [hbm4b:s5+s3], $0x80, v3, vm0, $0xb8;
	[tilespmem:$0x18100] =	vst v63  }
0x55: {  	s17 =	simm.s32 $0xD900  }
0x56: {  	[tilespmem:s17], [sflag:$0x2] =	stream.indirect_vreg.gather [hbm4b:s6+s3], $0x80, v3, vm0, $0xb8;
	[tilespmem:$0x18100] =	vst v63  }
0x57: {  	s18 =	simm.s32 $0xE100  }
0x58: {  	[tilespmem:s18], [sflag:$0x2] =	stream.indirect_vreg.gather [hbm4b:s7+s3], $0x80, v3, vm0, $0xb8;
	[tilespmem:$0x18100] =	vst v63  }
0x59: {  	s19 =	simm.s32 $0xE900  }
0x5a: {  	[tilespmem:s19], [sflag:$0x2] =	stream.indirect_vreg.gather [hbm4b:s8+s3], $0x80, v3, vm0, $0xb8;
	[tilespmem:$0x18100] =	vst v63  }
0x5b: {  	s20 =	simm.s32 $0xF100  }
0x5c: {  	[tilespmem:s20], [sflag:$0x2] =	stream.indirect_vreg.gather [hbm4b:s9+s3], $0x80, v3, vm0, $0xb8;
	[tilespmem:$0x18100] =	vst v63  }
0x5d: {  	s21 =	simm.s32 $0xF900  }
0x5e: {  	[tilespmem:s21], [sflag:$0x2] =	stream.indirect_vreg.gather [hbm4b:s10+s3], $0x80, v3, vm0, $0xb8;
	[tilespmem:$0x18100] =	vst v63  }
0x5f: {  	v3 =	vld [tilespmem:$0x20];
	_ =	sdelay $0x4  }
0x60: {  	v50 =	vshll.u32 v3, $0x4  }
0x61: {  	v3 =	vand.u32 $0x7, v3;
	v4 =	vand.u32 $0xFFFFFF80, v50  }
0x62: {  	v3 =	vor.u32 v3, v4  }
0x63: {  	v4 =	vperm.xlane v3, v0;
	_ =	sdelay $0x1  }
0x64: {  	v4 =	vadd.s32 v1, v4;
	_ =	sdelay $0x3  }
0x65: {  	s26 =	simm.s32 $0x10100  }
0x66: {  	[tilespmem:s26], [sflag:$0x3] =	stream.indirect_vreg.gather [hbm4b:s2+s3], $0x80, v4, vm0, $0xb8;
	[tilespmem:$0x18100] =	vst v63  }
0x67: {  	s28 =	simm.s32 $0x10900  }
0x68: {  	[tilespmem:s28], [sflag:$0x3] =	stream.indirect_vreg.gather [hbm4b:s4+s3], $0x80, v4, vm0, $0xb8;
	[tilespmem:$0x18100] =	vst v63  }
0x69: {  	s12 =	simm.s32 $0x11100  }
0x6a: {  	[tilespmem:s12], [sflag:$0x3] =	stream.indirect_vreg.gather [hbm4b:s5+s3], $0x80, v4, vm0, $0xb8;
	[tilespmem:$0x18100] =	vst v63  }
0x6b: {  	s15 =	simm.s32 $0x11900  }
0x6c: {  	[tilespmem:s15], [sflag:$0x3] =	stream.indirect_vreg.gather [hbm4b:s6+s3], $0x80, v4, vm0, $0xb8;
	[tilespmem:$0x18100] =	vst v63  }
0x6d: {  	s16 =	simm.s32 $0x12100  }
0x6e: {  	[tilespmem:s16], [sflag:$0x3] =	stream.indirect_vreg.gather [hbm4b:s7+s3], $0x80, v4, vm0, $0xb8;
	[tilespmem:$0x18100] =	vst v63  }
0x6f: {  	s17 =	simm.s32 $0x12900;
	v3 =	vperm.xlane v3, v2  }
0x70: {  	[tilespmem:s17], [sflag:$0x3] =	stream.indirect_vreg.gather [hbm4b:s8+s3], $0x80, v4, vm0, $0xb8;
	[tilespmem:$0x18100] =	vst v63  }
0x71: {  	s18 =	simm.s32 $0x13100;
	v3 =	vadd.s32 v1, v3  }
0x72: {  	[tilespmem:s18], [sflag:$0x3] =	stream.indirect_vreg.gather [hbm4b:s9+s3], $0x80, v4, vm0, $0xb8;
	[tilespmem:$0x18100] =	vst v63  }
0x73: {  	s19 =	simm.s32 $0x13900  }
0x74: {  	[tilespmem:s19], [sflag:$0x3] =	stream.indirect_vreg.gather [hbm4b:s10+s3], $0x80, v4, vm0, $0xb8;
	[tilespmem:$0x18100] =	vst v63  }
0x75: {  	s20 =	simm.s32 $0x14100  }
0x76: {  	[tilespmem:s20], [sflag:$0x3] =	stream.indirect_vreg.gather [hbm4b:s2+s3], $0x80, v3, vm0, $0xb8;
	[tilespmem:$0x18100] =	vst v63  }
0x77: {  	s21 =	simm.s32 $0x14900  }
0x78: {  	[tilespmem:s21], [sflag:$0x3] =	stream.indirect_vreg.gather [hbm4b:s4+s3], $0x80, v3, vm0, $0xb8;
	[tilespmem:$0x18100] =	vst v63  }
0x79: {  	s12 =	simm.s32 $0x15100  }
0x7a: {  	[tilespmem:s12], [sflag:$0x3] =	stream.indirect_vreg.gather [hbm4b:s5+s3], $0x80, v3, vm0, $0xb8;
	[tilespmem:$0x18100] =	vst v63  }
0x7b: {  	s15 =	simm.s32 $0x15900  }
0x7c: {  	[tilespmem:s15], [sflag:$0x3] =	stream.indirect_vreg.gather [hbm4b:s6+s3], $0x80, v3, vm0, $0xb8;
	[tilespmem:$0x18100] =	vst v63  }
0x7d: {  	s16 =	simm.s32 $0x16100  }
0x7e: {  	[tilespmem:s16], [sflag:$0x3] =	stream.indirect_vreg.gather [hbm4b:s7+s3], $0x80, v3, vm0, $0xb8;
	[tilespmem:$0x18100] =	vst v63  }
0x7f: {  	s17 =	simm.s32 $0x16900  }
0x80: {  	[tilespmem:s17], [sflag:$0x3] =	stream.indirect_vreg.gather [hbm4b:s8+s3], $0x80, v3, vm0, $0xb8;
	[tilespmem:$0x18100] =	vst v63  }
0x81: {  	s18 =	simm.s32 $0x17100  }
0x82: {  	[tilespmem:s18], [sflag:$0x3] =	stream.indirect_vreg.gather [hbm4b:s9+s3], $0x80, v3, vm0, $0xb8;
	[tilespmem:$0x18100] =	vst v63  }
0x83: {  	s19 =	simm.s32 $0x17900  }
0x84: {  	[tilespmem:s19], [sflag:$0x3] =	stream.indirect_vreg.gather [hbm4b:s10+s3], $0x80, v3, vm0, $0xb8;
	[tilespmem:$0x18100] =	vst v63  }
0x85: {  	_ =	swait.ge [sflag:s30], $0x8000  }
0x86: {  	[sflag:s30] =	ssyncset.done $0x0  }
0x87: {  	[sflag:s30] =	ssyncadd.s32 $0xFFFF8000  }
0x88: {  	v3 =	vld [tilespmem:$0x30];
	_ =	sdelay $0x4  }
0x89: {  	v51 =	vshll.u32 v3, $0x4  }
0x8a: {  	v3 =	vand.u32 $0x7, v3;
	v4 =	vand.u32 $0xFFFFFF80, v51  }
0x8b: {  	v3 =	vor.u32 v3, v4  }
0x8c: {  	v4 =	vperm.xlane v3, v0;
	_ =	sdelay $0x1  }
0x8d: {  	v4 =	vadd.s32 v1, v4;
	_ =	sdelay $0x3  }
0x8e: {  	s11 =	simm.s32 $0x100  }
0x8f: {  	[tilespmem:s11], [sflag:$0x1] =	stream.indirect_vreg.gather [hbm4b:s2+s3], $0x80, v4, vm0, $0xb8;
	[tilespmem:$0x18100] =	vst v63  }
0x90: {  	s20 =	simm.s32 $0x900  }
0x91: {  	[tilespmem:s20], [sflag:$0x1] =	stream.indirect_vreg.gather [hbm4b:s4+s3], $0x80, v4, vm0, $0xb8;
	[tilespmem:$0x18100] =	vst v63  }
0x92: {  	s21 =	simm.s32 $0x1100  }
0x93: {  	[tilespmem:s21], [sflag:$0x1] =	stream.indirect_vreg.gather [hbm4b:s5+s3], $0x80, v4, vm0, $0xb8;
	[tilespmem:$0x18100] =	vst v63  }
0x94: {  	s12 =	simm.s32 $0x1900  }
0x95: {  	[tilespmem:s12], [sflag:$0x1] =	stream.indirect_vreg.gather [hbm4b:s6+s3], $0x80, v4, vm0, $0xb8;
	[tilespmem:$0x18100] =	vst v63  }
0x96: {  	s13 =	simm.s32 $0x2100  }
0x97: {  	[tilespmem:s13], [sflag:$0x1] =	stream.indirect_vreg.gather [hbm4b:s7+s3], $0x80, v4, vm0, $0xb8;
	[tilespmem:$0x18100] =	vst v63  }
0x98: {  	s14 =	simm.s32 $0x2900;
	v3 =	vperm.xlane v3, v2  }
0x99: {  	[tilespmem:s14], [sflag:$0x1] =	stream.indirect_vreg.gather [hbm4b:s8+s3], $0x80, v4, vm0, $0xb8;
	[tilespmem:$0x18100] =	vst v63  }
0x9a: {  	v3 =	vadd.s32 v1, v3;
	s13 =	simm.s32 $0x3100  }
0x9b: {  	[tilespmem:s13], [sflag:$0x1] =	stream.indirect_vreg.gather [hbm4b:s9+s3], $0x80, v4, vm0, $0xb8;
	[tilespmem:$0x18100] =	vst v63  }
0x9c: {  	s14 =	simm.s32 $0x3900  }
0x9d: {  	[tilespmem:s14], [sflag:$0x1] =	stream.indirect_vreg.gather [hbm4b:s10+s3], $0x80, v4, vm0, $0xb8;
	[tilespmem:$0x18100] =	vst v63  }
0x9e: {  	s15 =	simm.s32 $0x4100  }
0x9f: {  	[tilespmem:s15], [sflag:$0x1] =	stream.indirect_vreg.gather [hbm4b:s2+s3], $0x80, v3, vm0, $0xb8;
	[tilespmem:$0x18100] =	vst v63  }
0xa0: {  	s16 =	simm.s32 $0x4900  }
0xa1: {  	[tilespmem:s16], [sflag:$0x1] =	stream.indirect_vreg.gather [hbm4b:s4+s3], $0x80, v3, vm0, $0xb8;
	[tilespmem:$0x18100] =	vst v63  }
0xa2: {  	s17 =	simm.s32 $0x5100  }
0xa3: {  	[tilespmem:s17], [sflag:$0x1] =	stream.indirect_vreg.gather [hbm4b:s5+s3], $0x80, v3, vm0, $0xb8;
	[tilespmem:$0x18100] =	vst v63  }
0xa4: {  	s18 =	simm.s32 $0x5900  }
0xa5: {  	[tilespmem:s18], [sflag:$0x1] =	stream.indirect_vreg.gather [hbm4b:s6+s3], $0x80, v3, vm0, $0xb8;
	[tilespmem:$0x18100] =	vst v63  }
0xa6: {  	s19 =	simm.s32 $0x6100  }
0xa7: {  	[tilespmem:s19], [sflag:$0x1] =	stream.indirect_vreg.gather [hbm4b:s7+s3], $0x80, v3, vm0, $0xb8;
	[tilespmem:$0x18100] =	vst v63  }
0xa8: {  	s20 =	simm.s32 $0x6900  }
0xa9: {  	[tilespmem:s20], [sflag:$0x1] =	stream.indirect_vreg.gather [hbm4b:s8+s3], $0x80, v3, vm0, $0xb8;
	[tilespmem:$0x18100] =	vst v63  }
0xaa: {  	s21 =	simm.s32 $0x7100  }
0xab: {  	[tilespmem:s21], [sflag:$0x1] =	stream.indirect_vreg.gather [hbm4b:s9+s3], $0x80, v3, vm0, $0xb8;
	[tilespmem:$0x18100] =	vst v63  }
0xac: {  	s22 =	simm.s32 $0x7900  }
0xad: {  	[tilespmem:s22], [sflag:$0x1] =	stream.indirect_vreg.gather [hbm4b:s10+s3], $0x80, v3, vm0, $0xb8;
	[tilespmem:$0x18100] =	vst v63  }
0xae: {  	_ =	swait.ge [sflag:s31], $0x8000  }
0xaf: {  	[sflag:s31] =	ssyncset.done $0x0  }
0xb0: {  	[sflag:s31] =	ssyncadd.s32 $0xFFFF8000  }
0xb1: {  	v3 =	vld [tilespmem:$0x40];
	_ =	sdelay $0x4  }
0xb2: {  	v52 =	vshll.u32 v3, $0x4  }
0xb3: {  	v3 =	vand.u32 $0x7, v3;
	v4 =	vand.u32 $0xFFFFFF80, v52  }
0xb4: {  	v3 =	vor.u32 v3, v4  }
0xb5: {  	v4 =	vperm.xlane v3, v0;
	_ =	sdelay $0x1  }
0xb6: {  	v4 =	vadd.s32 v1, v4;
	_ =	sdelay $0x3  }
0xb7: {  	s22 =	simm.s32 $0x8100  }
0xb8: {  	[tilespmem:s22], [sflag:$0x2] =	stream.indirect_vreg.gather [hbm4b:s2+s3], $0x80, v4, vm0, $0xb8;
	[tilespmem:$0x18100] =	vst v63  }
0xb9: {  	s11 =	simm.s32 $0x8900  }
0xba: {  	[tilespmem:s11], [sflag:$0x2] =	stream.indirect_vreg.gather [hbm4b:s4+s3], $0x80, v4, vm0, $0xb8;
	[tilespmem:$0x18100] =	vst v63  }
0xbb: {  	s22 =	simm.s32 $0x9100  }
0xbc: {  	[tilespmem:s22], [sflag:$0x2] =	stream.indirect_vreg.gather [hbm4b:s5+s3], $0x80, v4, vm0, $0xb8;
	[tilespmem:$0x18100] =	vst v63  }
0xbd: {  	s11 =	simm.s32 $0x9900  }
0xbe: {  	[tilespmem:s11], [sflag:$0x2] =	stream.indirect_vreg.gather [hbm4b:s6+s3], $0x80, v4, vm0, $0xb8;
	[tilespmem:$0x18100] =	vst v63  }
0xbf: {  	s22 =	simm.s32 $0xA100  }
0xc0: {  	[tilespmem:s22], [sflag:$0x2] =	stream.indirect_vreg.gather [hbm4b:s7+s3], $0x80, v4, vm0, $0xb8;
	[tilespmem:$0x18100] =	vst v63  }
0xc1: {  	v3 =	vperm.xlane v3, v2;
	s11 =	simm.s32 $0xA900  }
0xc2: {  	[tilespmem:s11], [sflag:$0x2] =	stream.indirect_vreg.gather [hbm4b:s8+s3], $0x80, v4, vm0, $0xb8;
	[tilespmem:$0x18100] =	vst v63  }
0xc3: {  	s23 =	simm.s32 $0xB100;
	v3 =	vadd.s32 v1, v3  }
0xc4: {  	[tilespmem:s23], [sflag:$0x2] =	stream.indirect_vreg.gather [hbm4b:s9+s3], $0x80, v4, vm0, $0xb8;
	[tilespmem:$0x18100] =	vst v63  }
0xc5: {  	s24 =	simm.s32 $0xB900  }
0xc6: {  	[tilespmem:s24], [sflag:$0x2] =	stream.indirect_vreg.gather [hbm4b:s10+s3], $0x80, v4, vm0, $0xb8;
	[tilespmem:$0x18100] =	vst v63  }
0xc7: {  	s25 =	simm.s32 $0xC100  }
0xc8: {  	[tilespmem:s25], [sflag:$0x2] =	stream.indirect_vreg.gather [hbm4b:s2+s3], $0x80, v3, vm0, $0xb8;
	[tilespmem:$0x18100] =	vst v63  }
0xc9: {  	s29 =	simm.s32 $0xC900  }
0xca: {  	[tilespmem:s29], [sflag:$0x2] =	stream.indirect_vreg.gather [hbm4b:s4+s3], $0x80, v3, vm0, $0xb8;
	[tilespmem:$0x18100] =	vst v63  }
0xcb: {  	s0 =	simm.s32 $0xD100  }
0xcc: {  	[tilespmem:s0], [sflag:$0x2] =	stream.indirect_vreg.gather [hbm4b:s5+s3], $0x80, v3, vm0, $0xb8;
	[tilespmem:$0x18100] =	vst v63  }
0xcd: {  	s22 =	simm.s32 $0xD900  }
0xce: {  	[tilespmem:s22], [sflag:$0x2] =	stream.indirect_vreg.gather [hbm4b:s6+s3], $0x80, v3, vm0, $0xb8;
	[tilespmem:$0x18100] =	vst v63  }
0xcf: {  	s23 =	simm.s32 $0xE100  }
0xd0: {  	[tilespmem:s23], [sflag:$0x2] =	stream.indirect_vreg.gather [hbm4b:s7+s3], $0x80, v3, vm0, $0xb8;
	[tilespmem:$0x18100] =	vst v63  }
0xd1: {  	s24 =	simm.s32 $0xE900  }
0xd2: {  	[tilespmem:s24], [sflag:$0x2] =	stream.indirect_vreg.gather [hbm4b:s8+s3], $0x80, v3, vm0, $0xb8;
	[tilespmem:$0x18100] =	vst v63  }
0xd3: {  	s25 =	simm.s32 $0xF100  }
0xd4: {  	[tilespmem:s25], [sflag:$0x2] =	stream.indirect_vreg.gather [hbm4b:s9+s3], $0x80, v3, vm0, $0xb8;
	[tilespmem:$0x18100] =	vst v63  }
0xd5: {  	s29 =	simm.s32 $0xF900  }
0xd6: {  	[tilespmem:s29], [sflag:$0x2] =	stream.indirect_vreg.gather [hbm4b:s10+s3], $0x80, v3, vm0, $0xb8;
	[tilespmem:$0x18100] =	vst v63  }
0xd7: {  	_ =	swait.ge [sflag:s1], $0x8000  }
0xd8: {  	[sflag:s1] =	ssyncset.done $0x0  }
0xd9: {  	[sflag:s1] =	ssyncadd.s32 $0xFFFF8000  }
0xda: {  	v3 =	vld [tilespmem:$0x50];
	_ =	sdelay $0x4  }
0xdb: {  	v53 =	vshll.u32 v3, $0x4  }
0xdc: {  	v3 =	vand.u32 $0x7, v3;
	v4 =	vand.u32 $0xFFFFFF80, v53  }
0xdd: {  	v3 =	vor.u32 v3, v4  }
0xde: {  	v4 =	vperm.xlane v3, v0;
	_ =	sdelay $0x1  }
0xdf: {  	v4 =	vadd.s32 v1, v4;
	_ =	sdelay $0x3  }
0xe0: {  	s22 =	simm.s32 $0x10100  }
0xe1: {  	[tilespmem:s22], [sflag:$0x3] =	stream.indirect_vreg.gather [hbm4b:s2+s3], $0x80, v4, vm0, $0xb8;
	[tilespmem:$0x18100] =	vst v63  }
0xe2: {  	s23 =	simm.s32 $0x10900  }
0xe3: {  	[tilespmem:s23], [sflag:$0x3] =	stream.indirect_vreg.gather [hbm4b:s4+s3], $0x80, v4, vm0, $0xb8;
	[tilespmem:$0x18100] =	vst v63  }
0xe4: {  	s24 =	simm.s32 $0x11100  }
0xe5: {  	[tilespmem:s24], [sflag:$0x3] =	stream.indirect_vreg.gather [hbm4b:s5+s3], $0x80, v4, vm0, $0xb8;
	[tilespmem:$0x18100] =	vst v63  }
0xe6: {  	s25 =	simm.s32 $0x11900  }
0xe7: {  	[tilespmem:s25], [sflag:$0x3] =	stream.indirect_vreg.gather [hbm4b:s6+s3], $0x80, v4, vm0, $0xb8;
	[tilespmem:$0x18100] =	vst v63  }
0xe8: {  	s26 =	simm.s32 $0x12100  }
0xe9: {  	[tilespmem:s26], [sflag:$0x3] =	stream.indirect_vreg.gather [hbm4b:s7+s3], $0x80, v4, vm0, $0xb8;
	[tilespmem:$0x18100] =	vst v63  }
0xea: {  	s28 =	simm.s32 $0x12900;
	v3 =	vperm.xlane v3, v2  }
0xeb: {  	[tilespmem:s28], [sflag:$0x3] =	stream.indirect_vreg.gather [hbm4b:s8+s3], $0x80, v4, vm0, $0xb8;
	[tilespmem:$0x18100] =	vst v63  }
0xec: {  	v3 =	vadd.s32 v1, v3;
	s26 =	simm.s32 $0x13100  }
0xed: {  	[tilespmem:s26], [sflag:$0x3] =	stream.indirect_vreg.gather [hbm4b:s9+s3], $0x80, v4, vm0, $0xb8;
	[tilespmem:$0x18100] =	vst v63  }
0xee: {  	s28 =	simm.s32 $0x13900  }
0xef: {  	[tilespmem:s28], [sflag:$0x3] =	stream.indirect_vreg.gather [hbm4b:s10+s3], $0x80, v4, vm0, $0xb8;
	[tilespmem:$0x18100] =	vst v63  }
0xf0: {  	s29 =	simm.s32 $0x14100  }
0xf1: {  	[tilespmem:s29], [sflag:$0x3] =	stream.indirect_vreg.gather [hbm4b:s2+s3], $0x80, v3, vm0, $0xb8;
	[tilespmem:$0x18100] =	vst v63  }
0xf2: {  	s11 =	simm.s32 $0x14900  }
0xf3: {  	[tilespmem:s11], [sflag:$0x3] =	stream.indirect_vreg.gather [hbm4b:s4+s3], $0x80, v3, vm0, $0xb8;
	[tilespmem:$0x18100] =	vst v63  }
0xf4: {  	s11 =	simm.s32 $0x15100  }
0xf5: {  	[tilespmem:s11], [sflag:$0x3] =	stream.indirect_vreg.gather [hbm4b:s5+s3], $0x80, v3, vm0, $0xb8;
	[tilespmem:$0x18100] =	vst v63  }
0xf6: {  	s11 =	simm.s32 $0x15900  }
0xf7: {  	[tilespmem:s11], [sflag:$0x3] =	stream.indirect_vreg.gather [hbm4b:s6+s3], $0x80, v3, vm0, $0xb8;
	[tilespmem:$0x18100] =	vst v63  }
0xf8: {  	s11 =	simm.s32 $0x16100  }
0xf9: {  	[tilespmem:s11], [sflag:$0x3] =	stream.indirect_vreg.gather [hbm4b:s7+s3], $0x80, v3, vm0, $0xb8;
	[tilespmem:$0x18100] =	vst v63  }
0xfa: {  	s11 =	simm.s32 $0x16900  }
0xfb: {  	[tilespmem:s11], [sflag:$0x3] =	stream.indirect_vreg.gather [hbm4b:s8+s3], $0x80, v3, vm0, $0xb8;
	[tilespmem:$0x18100] =	vst v63  }
0xfc: {  	s11 =	simm.s32 $0x17100  }
0xfd: {  	[tilespmem:s11], [sflag:$0x3] =	stream.indirect_vreg.gather [hbm4b:s9+s3], $0x80, v3, vm0, $0xb8;
	[tilespmem:$0x18100] =	vst v63  }
0xfe: {  	s11 =	simm.s32 $0x17900  }
0xff: {  	[tilespmem:s11], [sflag:$0x3] =	stream.indirect_vreg.gather [hbm4b:s10+s3], $0x80, v3, vm0, $0xb8;
	[tilespmem:$0x18100] =	vst v63  }
0x100: {  	_ =	swait.ge [sflag:s30], $0x8000  }
0x101: {  	[sflag:s30] =	ssyncset.done $0x0  }
0x102: {  	[sflag:s30] =	ssyncadd.s32 $0xFFFF8000  }
0x103: {  	v3 =	vld [tilespmem:$0x60];
	_ =	sdelay $0x4  }
0x104: {  	v54 =	vshll.u32 v3, $0x4  }
0x105: {  	v3 =	vand.u32 $0x7, v3;
	v4 =	vand.u32 $0xFFFFFF80, v54  }
0x106: {  	v3 =	vor.u32 v3, v4  }
0x107: {  	v4 =	vperm.xlane v3, v0;
	_ =	sdelay $0x1  }
0x108: {  	v4 =	vadd.s32 v1, v4;
	_ =	sdelay $0x3  }
0x109: {  	s11 =	simm.s32 $0x100  }
0x10a: {  	[tilespmem:s11], [sflag:$0x1] =	stream.indirect_vreg.gather [hbm4b:s2+s3], $0x80, v4, vm0, $0xb8;
	[tilespmem:$0x18100] =	vst v63  }
0x10b: {  	s11 =	simm.s32 $0x900  }
0x10c: {  	[tilespmem:s11], [sflag:$0x1] =	stream.indirect_vreg.gather [hbm4b:s4+s3], $0x80, v4, vm0, $0xb8;
	[tilespmem:$0x18100] =	vst v63  }
0x10d: {  	s11 =	simm.s32 $0x1100  }
0x10e: {  	[tilespmem:s11], [sflag:$0x1] =	stream.indirect_vreg.gather [hbm4b:s5+s3], $0x80, v4, vm0, $0xb8;
	[tilespmem:$0x18100] =	vst v63  }
0x10f: {  	_ = 	snop  }
0x110: {  	[tilespmem:s12], [sflag:$0x1] =	stream.indirect_vreg.gather [hbm4b:s6+s3], $0x80, v4, vm0, $0xb8;
	[tilespmem:$0x18100] =	vst v63  }
0x111: {  	s11 =	simm.s32 $0x2100  }
0x112: {  	[tilespmem:s11], [sflag:$0x1] =	stream.indirect_vreg.gather [hbm4b:s7+s3], $0x80, v4, vm0, $0xb8;
	[tilespmem:$0x18100] =	vst v63  }
0x113: {  	v3 =	vperm.xlane v3, v2;
	s11 =	simm.s32 $0x2900  }
0x114: {  	[tilespmem:s11], [sflag:$0x1] =	stream.indirect_vreg.gather [hbm4b:s8+s3], $0x80, v4, vm0, $0xb8;
	[tilespmem:$0x18100] =	vst v63  }
0x115: {  	v3 =	vadd.s32 v1, v3  }
0x116: {  	[tilespmem:s13], [sflag:$0x1] =	stream.indirect_vreg.gather [hbm4b:s9+s3], $0x80, v4, vm0, $0xb8;
	[tilespmem:$0x18100] =	vst v63  }
0x117: {  	_ = 	snop  }
0x118: {  	[tilespmem:s14], [sflag:$0x1] =	stream.indirect_vreg.gather [hbm4b:s10+s3], $0x80, v4, vm0, $0xb8;
	[tilespmem:$0x18100] =	vst v63  }
0x119: {  	_ = 	snop  }
0x11a: {  	[tilespmem:s15], [sflag:$0x1] =	stream.indirect_vreg.gather [hbm4b:s2+s3], $0x80, v3, vm0, $0xb8;
	[tilespmem:$0x18100] =	vst v63  }
0x11b: {  	_ = 	snop  }
0x11c: {  	[tilespmem:s16], [sflag:$0x1] =	stream.indirect_vreg.gather [hbm4b:s4+s3], $0x80, v3, vm0, $0xb8;
	[tilespmem:$0x18100] =	vst v63  }
0x11d: {  	_ = 	snop  }
0x11e: {  	[tilespmem:s17], [sflag:$0x1] =	stream.indirect_vreg.gather [hbm4b:s5+s3], $0x80, v3, vm0, $0xb8;
	[tilespmem:$0x18100] =	vst v63  }
0x11f: {  	_ = 	snop  }
0x120: {  	[tilespmem:s18], [sflag:$0x1] =	stream.indirect_vreg.gather [hbm4b:s6+s3], $0x80, v3, vm0, $0xb8;
	[tilespmem:$0x18100] =	vst v63  }
0x121: {  	_ = 	snop  }
0x122: {  	[tilespmem:s19], [sflag:$0x1] =	stream.indirect_vreg.gather [hbm4b:s7+s3], $0x80, v3, vm0, $0xb8;
	[tilespmem:$0x18100] =	vst v63  }
0x123: {  	_ = 	snop  }
0x124: {  	[tilespmem:s20], [sflag:$0x1] =	stream.indirect_vreg.gather [hbm4b:s8+s3], $0x80, v3, vm0, $0xb8;
	[tilespmem:$0x18100] =	vst v63  }
0x125: {  	_ = 	snop  }
0x126: {  	[tilespmem:s21], [sflag:$0x1] =	stream.indirect_vreg.gather [hbm4b:s9+s3], $0x80, v3, vm0, $0xb8;
	[tilespmem:$0x18100] =	vst v63  }
0x127: {  	s11 =	simm.s32 $0x7900  }
0x128: {  	[tilespmem:s11], [sflag:$0x1] =	stream.indirect_vreg.gather [hbm4b:s10+s3], $0x80, v3, vm0, $0xb8;
	[tilespmem:$0x18100] =	vst v63  }
0x129: {  	_ =	swait.ge [sflag:s31], $0x8000  }
0x12a: {  	[sflag:s31] =	ssyncset.done $0x0  }
0x12b: {  	[sflag:s31] =	ssyncadd.s32 $0xFFFF8000  }
0x12c: {  	v3 =	vld [tilespmem:$0x70];
	_ =	sdelay $0x4  }
0x12d: {  	v55 =	vshll.u32 v3, $0x4  }
0x12e: {  	v3 =	vand.u32 $0x7, v3;
	v4 =	vand.u32 $0xFFFFFF80, v55  }
0x12f: {  	v3 =	vor.u32 v3, v4  }
0x130: {  	v4 =	vperm.xlane v3, v0;
	_ =	sdelay $0x1  }
0x131: {  	v4 =	vadd.s32 v1, v4;
	_ =	sdelay $0x3  }
0x132: {  	s11 =	simm.s32 $0x8100  }
0x133: {  	[tilespmem:s11], [sflag:$0x2] =	stream.indirect_vreg.gather [hbm4b:s2+s3], $0x80, v4, vm0, $0xb8;
	[tilespmem:$0x18100] =	vst v63  }
0x134: {  	s11 =	simm.s32 $0x8900  }
0x135: {  	[tilespmem:s11], [sflag:$0x2] =	stream.indirect_vreg.gather [hbm4b:s4+s3], $0x80, v4, vm0, $0xb8;
	[tilespmem:$0x18100] =	vst v63  }
0x136: {  	s11 =	simm.s32 $0x9100  }
0x137: {  	[tilespmem:s11], [sflag:$0x2] =	stream.indirect_vreg.gather [hbm4b:s5+s3], $0x80, v4, vm0, $0xb8;
	[tilespmem:$0x18100] =	vst v63  }
0x138: {  	s11 =	simm.s32 $0x9900  }
0x139: {  	[tilespmem:s11], [sflag:$0x2] =	stream.indirect_vreg.gather [hbm4b:s6+s3], $0x80, v4, vm0, $0xb8;
	[tilespmem:$0x18100] =	vst v63  }
0x13a: {  	s11 =	simm.s32 $0xA100  }
0x13b: {  	[tilespmem:s11], [sflag:$0x2] =	stream.indirect_vreg.gather [hbm4b:s7+s3], $0x80, v4, vm0, $0xb8;
	[tilespmem:$0x18100] =	vst v63  }
0x13c: {  	v3 =	vperm.xlane v3, v2;
	s11 =	simm.s32 $0xA900  }
0x13d: {  	[tilespmem:s11], [sflag:$0x2] =	stream.indirect_vreg.gather [hbm4b:s8+s3], $0x80, v4, vm0, $0xb8;
	[tilespmem:$0x18100] =	vst v63  }
0x13e: {  	v3 =	vadd.s32 v1, v3;
	s11 =	simm.s32 $0xB100  }
0x13f: {  	[tilespmem:s11], [sflag:$0x2] =	stream.indirect_vreg.gather [hbm4b:s9+s3], $0x80, v4, vm0, $0xb8;
	[tilespmem:$0x18100] =	vst v63  }
0x140: {  	s11 =	simm.s32 $0xB900  }
0x141: {  	[tilespmem:s11], [sflag:$0x2] =	stream.indirect_vreg.gather [hbm4b:s10+s3], $0x80, v4, vm0, $0xb8;
	[tilespmem:$0x18100] =	vst v63  }
0x142: {  	s11 =	simm.s32 $0xC100  }
0x143: {  	[tilespmem:s11], [sflag:$0x2] =	stream.indirect_vreg.gather [hbm4b:s2+s3], $0x80, v3, vm0, $0xb8;
	[tilespmem:$0x18100] =	vst v63  }
0x144: {  	s11 =	simm.s32 $0xC900  }
0x145: {  	[tilespmem:s11], [sflag:$0x2] =	stream.indirect_vreg.gather [hbm4b:s4+s3], $0x80, v3, vm0, $0xb8;
	[tilespmem:$0x18100] =	vst v63  }
0x146: {  	_ = 	snop  }
0x147: {  	[tilespmem:s0], [sflag:$0x2] =	stream.indirect_vreg.gather [hbm4b:s5+s3], $0x80, v3, vm0, $0xb8;
	[tilespmem:$0x18100] =	vst v63  }
0x148: {  	s11 =	simm.s32 $0xD900  }
0x149: {  	[tilespmem:s11], [sflag:$0x2] =	stream.indirect_vreg.gather [hbm4b:s6+s3], $0x80, v3, vm0, $0xb8;
	[tilespmem:$0x18100] =	vst v63  }
0x14a: {  	s11 =	simm.s32 $0xE100  }
0x14b: {  	[tilespmem:s11], [sflag:$0x2] =	stream.indirect_vreg.gather [hbm4b:s7+s3], $0x80, v3, vm0, $0xb8;
	[tilespmem:$0x18100] =	vst v63  }
0x14c: {  	s11 =	simm.s32 $0xE900  }
0x14d: {  	[tilespmem:s11], [sflag:$0x2] =	stream.indirect_vreg.gather [hbm4b:s8+s3], $0x80, v3, vm0, $0xb8;
	[tilespmem:$0x18100] =	vst v63  }
0x14e: {  	s11 =	simm.s32 $0xF100  }
0x14f: {  	[tilespmem:s11], [sflag:$0x2] =	stream.indirect_vreg.gather [hbm4b:s9+s3], $0x80, v3, vm0, $0xb8;
	[tilespmem:$0x18100] =	vst v63  }
0x150: {  	s11 =	simm.s32 $0xF900  }
0x151: {  	[tilespmem:s11], [sflag:$0x2] =	stream.indirect_vreg.gather [hbm4b:s10+s3], $0x80, v3, vm0, $0xb8;
	[tilespmem:$0x18100] =	vst v63  }
0x152: {  	_ =	swait.ge [sflag:s1], $0x8000  }
0x153: {  	[sflag:s1] =	ssyncset.done $0x0  }
0x154: {  	[sflag:s1] =	ssyncadd.s32 $0xFFFF8000  }
0x155: {  	v3 =	vld [tilespmem:$0x80];
	_ =	sdelay $0x4  }
0x156: {  	v56 =	vshll.u32 v3, $0x4  }
0x157: {  	v3 =	vand.u32 $0x7, v3;
	v4 =	vand.u32 $0xFFFFFF80, v56  }
0x158: {  	v3 =	vor.u32 v3, v4  }
0x159: {  	v4 =	vperm.xlane v3, v0;
	_ =	sdelay $0x1  }
0x15a: {  	v4 =	vadd.s32 v1, v4;
	_ =	sdelay $0x4  }
0x15b: {  	[tilespmem:s22], [sflag:$0x3] =	stream.indirect_vreg.gather [hbm4b:s2+s3], $0x80, v4, vm0, $0xb8;
	[tilespmem:$0x18100] =	vst v63  }
0x15c: {  	_ = 	snop  }
0x15d: {  	[tilespmem:s23], [sflag:$0x3] =	stream.indirect_vreg.gather [hbm4b:s4+s3], $0x80, v4, vm0, $0xb8;
	[tilespmem:$0x18100] =	vst v63  }
0x15e: {  	_ = 	snop  }
0x15f: {  	[tilespmem:s24], [sflag:$0x3] =	stream.indirect_vreg.gather [hbm4b:s5+s3], $0x80, v4, vm0, $0xb8;
	[tilespmem:$0x18100] =	vst v63  }
0x160: {  	_ = 	snop  }
0x161: {  	[tilespmem:s25], [sflag:$0x3] =	stream.indirect_vreg.gather [hbm4b:s6+s3], $0x80, v4, vm0, $0xb8;
	[tilespmem:$0x18100] =	vst v63  }
0x162: {  	s11 =	simm.s32 $0x12100  }
0x163: {  	[tilespmem:s11], [sflag:$0x3] =	stream.indirect_vreg.gather [hbm4b:s7+s3], $0x80, v4, vm0, $0xb8;
	[tilespmem:$0x18100] =	vst v63  }
0x164: {  	v3 =	vperm.xlane v3, v2;
	s25 =	simm.s32 $0x12900  }
0x165: {  	[tilespmem:s25], [sflag:$0x3] =	stream.indirect_vreg.gather [hbm4b:s8+s3], $0x80, v4, vm0, $0xb8;
	[tilespmem:$0x18100] =	vst v63  }
0x166: {  	v3 =	vadd.s32 v1, v3  }
0x167: {  	[tilespmem:s26], [sflag:$0x3] =	stream.indirect_vreg.gather [hbm4b:s9+s3], $0x80, v4, vm0, $0xb8;
	[tilespmem:$0x18100] =	vst v63  }
0x168: {  	_ = 	snop  }
0x169: {  	[tilespmem:s28], [sflag:$0x3] =	stream.indirect_vreg.gather [hbm4b:s10+s3], $0x80, v4, vm0, $0xb8;
	[tilespmem:$0x18100] =	vst v63  }
0x16a: {  	_ = 	snop  }
0x16b: {  	[tilespmem:s29], [sflag:$0x3] =	stream.indirect_vreg.gather [hbm4b:s2+s3], $0x80, v3, vm0, $0xb8;
	[tilespmem:$0x18100] =	vst v63  }
0x16c: {  	s0 =	simm.s32 $0x14900  }
0x16d: {  	[tilespmem:s0], [sflag:$0x3] =	stream.indirect_vreg.gather [hbm4b:s4+s3], $0x80, v3, vm0, $0xb8;
	[tilespmem:$0x18100] =	vst v63  }
0x16e: {  	s11 =	simm.s32 $0x15100  }
0x16f: {  	[tilespmem:s11], [sflag:$0x3] =	stream.indirect_vreg.gather [hbm4b:s5+s3], $0x80, v3, vm0, $0xb8;
	[tilespmem:$0x18100] =	vst v63  }
0x170: {  	s11 =	simm.s32 $0x15900  }
0x171: {  	[tilespmem:s11], [sflag:$0x3] =	stream.indirect_vreg.gather [hbm4b:s6+s3], $0x80, v3, vm0, $0xb8;
	[tilespmem:$0x18100] =	vst v63  }
0x172: {  	s11 =	simm.s32 $0x16100  }
0x173: {  	[tilespmem:s11], [sflag:$0x3] =	stream.indirect_vreg.gather [hbm4b:s7+s3], $0x80, v3, vm0, $0xb8;
	[tilespmem:$0x18100] =	vst v63  }
0x174: {  	s11 =	simm.s32 $0x16900  }
0x175: {  	[tilespmem:s11], [sflag:$0x3] =	stream.indirect_vreg.gather [hbm4b:s8+s3], $0x80, v3, vm0, $0xb8;
	[tilespmem:$0x18100] =	vst v63  }
0x176: {  	s11 =	simm.s32 $0x17100  }
0x177: {  	[tilespmem:s11], [sflag:$0x3] =	stream.indirect_vreg.gather [hbm4b:s9+s3], $0x80, v3, vm0, $0xb8;
	[tilespmem:$0x18100] =	vst v63  }
0x178: {  	s11 =	simm.s32 $0x17900  }
0x179: {  	[tilespmem:s11], [sflag:$0x3] =	stream.indirect_vreg.gather [hbm4b:s10+s3], $0x80, v3, vm0, $0xb8;
	[tilespmem:$0x18100] =	vst v63  }
0x17a: {  	_ =	swait.ge [sflag:s30], $0x8000  }
0x17b: {  	[sflag:s30] =	ssyncset.done $0x0  }
0x17c: {  	[sflag:s30] =	ssyncadd.s32 $0xFFFF8000  }
0x17d: {  	v3 =	vld [tilespmem:$0x90];
	_ =	sdelay $0x4  }
0x17e: {  	v57 =	vshll.u32 v3, $0x4  }
0x17f: {  	v3 =	vand.u32 $0x7, v3;
	v4 =	vand.u32 $0xFFFFFF80, v57  }
0x180: {  	v3 =	vor.u32 v3, v4  }
0x181: {  	v4 =	vperm.xlane v3, v0;
	_ =	sdelay $0x1  }
0x182: {  	v4 =	vadd.s32 v1, v4;
	_ =	sdelay $0x3  }
0x183: {  	s11 =	simm.s32 $0x100  }
0x184: {  	[tilespmem:s11], [sflag:$0x1] =	stream.indirect_vreg.gather [hbm4b:s2+s3], $0x80, v4, vm0, $0xb8;
	[tilespmem:$0x18100] =	vst v63  }
0x185: {  	s11 =	simm.s32 $0x900  }
0x186: {  	[tilespmem:s11], [sflag:$0x1] =	stream.indirect_vreg.gather [hbm4b:s4+s3], $0x80, v4, vm0, $0xb8;
	[tilespmem:$0x18100] =	vst v63  }
0x187: {  	s11 =	simm.s32 $0x1100  }
0x188: {  	[tilespmem:s11], [sflag:$0x1] =	stream.indirect_vreg.gather [hbm4b:s5+s3], $0x80, v4, vm0, $0xb8;
	[tilespmem:$0x18100] =	vst v63  }
0x189: {  	s12 =	simm.s32 $0x1900  }
0x18a: {  	[tilespmem:s12], [sflag:$0x1] =	stream.indirect_vreg.gather [hbm4b:s6+s3], $0x80, v4, vm0, $0xb8;
	[tilespmem:$0x18100] =	vst v63  }
0x18b: {  	s11 =	simm.s32 $0x2100  }
0x18c: {  	[tilespmem:s11], [sflag:$0x1] =	stream.indirect_vreg.gather [hbm4b:s7+s3], $0x80, v4, vm0, $0xb8;
	[tilespmem:$0x18100] =	vst v63  }
0x18d: {  	v3 =	vperm.xlane v3, v2;
	s12 =	simm.s32 $0x2900  }
0x18e: {  	[tilespmem:s12], [sflag:$0x1] =	stream.indirect_vreg.gather [hbm4b:s8+s3], $0x80, v4, vm0, $0xb8;
	[tilespmem:$0x18100] =	vst v63  }
0x18f: {  	s13 =	simm.s32 $0x3100;
	v3 =	vadd.s32 v1, v3  }
0x190: {  	[tilespmem:s13], [sflag:$0x1] =	stream.indirect_vreg.gather [hbm4b:s9+s3], $0x80, v4, vm0, $0xb8;
	[tilespmem:$0x18100] =	vst v63  }
0x191: {  	s14 =	simm.s32 $0x3900  }
0x192: {  	[tilespmem:s14], [sflag:$0x1] =	stream.indirect_vreg.gather [hbm4b:s10+s3], $0x80, v4, vm0, $0xb8;
	[tilespmem:$0x18100] =	vst v63  }
0x193: {  	s15 =	simm.s32 $0x4100  }
0x194: {  	[tilespmem:s15], [sflag:$0x1] =	stream.indirect_vreg.gather [hbm4b:s2+s3], $0x80, v3, vm0, $0xb8;
	[tilespmem:$0x18100] =	vst v63  }
0x195: {  	s16 =	simm.s32 $0x4900  }
0x196: {  	[tilespmem:s16], [sflag:$0x1] =	stream.indirect_vreg.gather [hbm4b:s4+s3], $0x80, v3, vm0, $0xb8;
	[tilespmem:$0x18100] =	vst v63  }
0x197: {  	s17 =	simm.s32 $0x5100  }
0x198: {  	[tilespmem:s17], [sflag:$0x1] =	stream.indirect_vreg.gather [hbm4b:s5+s3], $0x80, v3, vm0, $0xb8;
	[tilespmem:$0x18100] =	vst v63  }
0x199: {  	s18 =	simm.s32 $0x5900  }
0x19a: {  	[tilespmem:s18], [sflag:$0x1] =	stream.indirect_vreg.gather [hbm4b:s6+s3], $0x80, v3, vm0, $0xb8;
	[tilespmem:$0x18100] =	vst v63  }
0x19b: {  	s19 =	simm.s32 $0x6100  }
0x19c: {  	[tilespmem:s19], [sflag:$0x1] =	stream.indirect_vreg.gather [hbm4b:s7+s3], $0x80, v3, vm0, $0xb8;
	[tilespmem:$0x18100] =	vst v63  }
0x19d: {  	s20 =	simm.s32 $0x6900  }
0x19e: {  	[tilespmem:s20], [sflag:$0x1] =	stream.indirect_vreg.gather [hbm4b:s8+s3], $0x80, v3, vm0, $0xb8;
	[tilespmem:$0x18100] =	vst v63  }
0x19f: {  	s21 =	simm.s32 $0x7100  }
0x1a0: {  	[tilespmem:s21], [sflag:$0x1] =	stream.indirect_vreg.gather [hbm4b:s9+s3], $0x80, v3, vm0, $0xb8;
	[tilespmem:$0x18100] =	vst v63  }
0x1a1: {  	s17 =	simm.s32 $0x7900  }
0x1a2: {  	[tilespmem:s17], [sflag:$0x1] =	stream.indirect_vreg.gather [hbm4b:s10+s3], $0x80, v3, vm0, $0xb8;
	[tilespmem:$0x18100] =	vst v63  }
0x1a3: {  	_ =	swait.ge [sflag:s31], $0x8000  }
0x1a4: {  	[sflag:s31] =	ssyncset.done $0x0  }
0x1a5: {  	[sflag:s31] =	ssyncadd.s32 $0xFFFF8000  }
0x1a6: {  	v3 =	vld [tilespmem:$0xA0];
	_ =	sdelay $0x4  }
0x1a7: {  	v58 =	vshll.u32 v3, $0x4  }
0x1a8: {  	v3 =	vand.u32 $0x7, v3;
	v4 =	vand.u32 $0xFFFFFF80, v58  }
0x1a9: {  	v3 =	vor.u32 v3, v4  }
0x1aa: {  	v4 =	vperm.xlane v3, v0;
	_ =	sdelay $0x1  }
0x1ab: {  	v4 =	vadd.s32 v1, v4;
	_ =	sdelay $0x3  }
0x1ac: {  	s18 =	simm.s32 $0x8100  }
0x1ad: {  	[tilespmem:s18], [sflag:$0x2] =	stream.indirect_vreg.gather [hbm4b:s2+s3], $0x80, v4, vm0, $0xb8;
	[tilespmem:$0x18100] =	vst v63  }
0x1ae: {  	s19 =	simm.s32 $0x8900  }
0x1af: {  	[tilespmem:s19], [sflag:$0x2] =	stream.indirect_vreg.gather [hbm4b:s4+s3], $0x80, v4, vm0, $0xb8;
	[tilespmem:$0x18100] =	vst v63  }
0x1b0: {  	s20 =	simm.s32 $0x9100  }
0x1b1: {  	[tilespmem:s20], [sflag:$0x2] =	stream.indirect_vreg.gather [hbm4b:s5+s3], $0x80, v4, vm0, $0xb8;
	[tilespmem:$0x18100] =	vst v63  }
0x1b2: {  	s21 =	simm.s32 $0x9900  }
0x1b3: {  	[tilespmem:s21], [sflag:$0x2] =	stream.indirect_vreg.gather [hbm4b:s6+s3], $0x80, v4, vm0, $0xb8;
	[tilespmem:$0x18100] =	vst v63  }
0x1b4: {  	s0 =	simm.s32 $0xA100  }
0x1b5: {  	[tilespmem:s0], [sflag:$0x2] =	stream.indirect_vreg.gather [hbm4b:s7+s3], $0x80, v4, vm0, $0xb8;
	[tilespmem:$0x18100] =	vst v63  }
0x1b6: {  	s12 =	simm.s32 $0xA900;
	v3 =	vperm.xlane v3, v2  }
0x1b7: {  	[tilespmem:s12], [sflag:$0x2] =	stream.indirect_vreg.gather [hbm4b:s8+s3], $0x80, v4, vm0, $0xb8;
	[tilespmem:$0x18100] =	vst v63  }
0x1b8: {  	s13 =	simm.s32 $0xB100;
	v3 =	vadd.s32 v1, v3  }
0x1b9: {  	[tilespmem:s13], [sflag:$0x2] =	stream.indirect_vreg.gather [hbm4b:s9+s3], $0x80, v4, vm0, $0xb8;
	[tilespmem:$0x18100] =	vst v63  }
0x1ba: {  	s14 =	simm.s32 $0xB900  }
0x1bb: {  	[tilespmem:s14], [sflag:$0x2] =	stream.indirect_vreg.gather [hbm4b:s10+s3], $0x80, v4, vm0, $0xb8;
	[tilespmem:$0x18100] =	vst v63  }
0x1bc: {  	s15 =	simm.s32 $0xC100  }
0x1bd: {  	[tilespmem:s15], [sflag:$0x2] =	stream.indirect_vreg.gather [hbm4b:s2+s3], $0x80, v3, vm0, $0xb8;
	[tilespmem:$0x18100] =	vst v63  }
0x1be: {  	s16 =	simm.s32 $0xC900  }
0x1bf: {  	[tilespmem:s16], [sflag:$0x2] =	stream.indirect_vreg.gather [hbm4b:s4+s3], $0x80, v3, vm0, $0xb8;
	[tilespmem:$0x18100] =	vst v63  }
0x1c0: {  	s17 =	simm.s32 $0xD100  }
0x1c1: {  	[tilespmem:s17], [sflag:$0x2] =	stream.indirect_vreg.gather [hbm4b:s5+s3], $0x80, v3, vm0, $0xb8;
	[tilespmem:$0x18100] =	vst v63  }
0x1c2: {  	s18 =	simm.s32 $0xD900  }
0x1c3: {  	[tilespmem:s18], [sflag:$0x2] =	stream.indirect_vreg.gather [hbm4b:s6+s3], $0x80, v3, vm0, $0xb8;
	[tilespmem:$0x18100] =	vst v63  }
0x1c4: {  	s19 =	simm.s32 $0xE100  }
0x1c5: {  	[tilespmem:s19], [sflag:$0x2] =	stream.indirect_vreg.gather [hbm4b:s7+s3], $0x80, v3, vm0, $0xb8;
	[tilespmem:$0x18100] =	vst v63  }
0x1c6: {  	s20 =	simm.s32 $0xE900  }
0x1c7: {  	[tilespmem:s20], [sflag:$0x2] =	stream.indirect_vreg.gather [hbm4b:s8+s3], $0x80, v3, vm0, $0xb8;
	[tilespmem:$0x18100] =	vst v63  }
0x1c8: {  	s21 =	simm.s32 $0xF100  }
0x1c9: {  	[tilespmem:s21], [sflag:$0x2] =	stream.indirect_vreg.gather [hbm4b:s9+s3], $0x80, v3, vm0, $0xb8;
	[tilespmem:$0x18100] =	vst v63  }
0x1ca: {  	s0 =	simm.s32 $0xF900  }
0x1cb: {  	[tilespmem:s0], [sflag:$0x2] =	stream.indirect_vreg.gather [hbm4b:s10+s3], $0x80, v3, vm0, $0xb8;
	[tilespmem:$0x18100] =	vst v63  }
0x1cc: {  	_ =	swait.ge [sflag:s1], $0x8000  }
0x1cd: {  	[sflag:s1] =	ssyncset.done $0x0  }
0x1ce: {  	[sflag:s1] =	ssyncadd.s32 $0xFFFF8000  }
0x1cf: {  	v3 =	vld [tilespmem:$0xB0];
	_ =	sdelay $0x4  }
0x1d0: {  	v59 =	vshll.u32 v3, $0x4  }
0x1d1: {  	v3 =	vand.u32 $0x7, v3;
	v4 =	vand.u32 $0xFFFFFF80, v59  }
0x1d2: {  	v3 =	vor.u32 v3, v4  }
0x1d3: {  	v4 =	vperm.xlane v3, v0;
	_ =	sdelay $0x1  }
0x1d4: {  	v4 =	vadd.s32 v1, v4;
	_ =	sdelay $0x3  }
0x1d5: {  	s11 =	simm.s32 $0x10100  }
0x1d6: {  	[tilespmem:s11], [sflag:$0x3] =	stream.indirect_vreg.gather [hbm4b:s2+s3], $0x80, v4, vm0, $0xb8;
	[tilespmem:$0x18100] =	vst v63  }
0x1d7: {  	s22 =	simm.s32 $0x10900  }
0x1d8: {  	[tilespmem:s22], [sflag:$0x3] =	stream.indirect_vreg.gather [hbm4b:s4+s3], $0x80, v4, vm0, $0xb8;
	[tilespmem:$0x18100] =	vst v63  }
0x1d9: {  	s23 =	simm.s32 $0x11100  }
0x1da: {  	[tilespmem:s23], [sflag:$0x3] =	stream.indirect_vreg.gather [hbm4b:s5+s3], $0x80, v4, vm0, $0xb8;
	[tilespmem:$0x18100] =	vst v63  }
0x1db: {  	s24 =	simm.s32 $0x11900  }
0x1dc: {  	[tilespmem:s24], [sflag:$0x3] =	stream.indirect_vreg.gather [hbm4b:s6+s3], $0x80, v4, vm0, $0xb8;
	[tilespmem:$0x18100] =	vst v63  }
0x1dd: {  	s12 =	simm.s32 $0x12100  }
0x1de: {  	[tilespmem:s12], [sflag:$0x3] =	stream.indirect_vreg.gather [hbm4b:s7+s3], $0x80, v4, vm0, $0xb8;
	[tilespmem:$0x18100] =	vst v63  }
0x1df: {  	s13 =	simm.s32 $0x12900;
	v3 =	vperm.xlane v3, v2  }
0x1e0: {  	[tilespmem:s13], [sflag:$0x3] =	stream.indirect_vreg.gather [hbm4b:s8+s3], $0x80, v4, vm0, $0xb8;
	[tilespmem:$0x18100] =	vst v63  }
0x1e1: {  	s25 =	simm.s32 $0x13100;
	v3 =	vadd.s32 v1, v3  }
0x1e2: {  	[tilespmem:s25], [sflag:$0x3] =	stream.indirect_vreg.gather [hbm4b:s9+s3], $0x80, v4, vm0, $0xb8;
	[tilespmem:$0x18100] =	vst v63  }
0x1e3: {  	s26 =	simm.s32 $0x13900  }
0x1e4: {  	[tilespmem:s26], [sflag:$0x3] =	stream.indirect_vreg.gather [hbm4b:s10+s3], $0x80, v4, vm0, $0xb8;
	[tilespmem:$0x18100] =	vst v63  }
0x1e5: {  	s28 =	simm.s32 $0x14100  }
0x1e6: {  	[tilespmem:s28], [sflag:$0x3] =	stream.indirect_vreg.gather [hbm4b:s2+s3], $0x80, v3, vm0, $0xb8;
	[tilespmem:$0x18100] =	vst v63  }
0x1e7: {  	s29 =	simm.s32 $0x14900  }
0x1e8: {  	[tilespmem:s29], [sflag:$0x3] =	stream.indirect_vreg.gather [hbm4b:s4+s3], $0x80, v3, vm0, $0xb8;
	[tilespmem:$0x18100] =	vst v63  }
0x1e9: {  	s14 =	simm.s32 $0x15100  }
0x1ea: {  	[tilespmem:s14], [sflag:$0x3] =	stream.indirect_vreg.gather [hbm4b:s5+s3], $0x80, v3, vm0, $0xb8;
	[tilespmem:$0x18100] =	vst v63  }
0x1eb: {  	s15 =	simm.s32 $0x15900  }
0x1ec: {  	[tilespmem:s15], [sflag:$0x3] =	stream.indirect_vreg.gather [hbm4b:s6+s3], $0x80, v3, vm0, $0xb8;
	[tilespmem:$0x18100] =	vst v63  }
0x1ed: {  	s16 =	simm.s32 $0x16100  }
0x1ee: {  	[tilespmem:s16], [sflag:$0x3] =	stream.indirect_vreg.gather [hbm4b:s7+s3], $0x80, v3, vm0, $0xb8;
	[tilespmem:$0x18100] =	vst v63  }
0x1ef: {  	s29 =	simm.s32 $0x16900  }
0x1f0: {  	[tilespmem:s29], [sflag:$0x3] =	stream.indirect_vreg.gather [hbm4b:s8+s3], $0x80, v3, vm0, $0xb8;
	[tilespmem:$0x18100] =	vst v63  }
0x1f1: {  	s0 =	simm.s32 $0x17100  }
0x1f2: {  	[tilespmem:s0], [sflag:$0x3] =	stream.indirect_vreg.gather [hbm4b:s9+s3], $0x80, v3, vm0, $0xb8;
	[tilespmem:$0x18100] =	vst v63  }
0x1f3: {  	s11 =	simm.s32 $0x17900  }
0x1f4: {  	[tilespmem:s11], [sflag:$0x3] =	stream.indirect_vreg.gather [hbm4b:s10+s3], $0x80, v3, vm0, $0xb8;
	[tilespmem:$0x18100] =	vst v63  }
0x1f5: {  	_ =	swait.ge [sflag:s30], $0x8000  }
0x1f6: {  	[sflag:s30] =	ssyncset.done $0x0  }
0x1f7: {  	[sflag:s30] =	ssyncadd.s32 $0xFFFF8000  }
0x1f8: {  	v3 =	vld [tilespmem:$0xC0];
	_ =	sdelay $0x4  }
0x1f9: {  	v60 =	vshll.u32 v3, $0x4  }
0x1fa: {  	v3 =	vand.u32 $0x7, v3;
	v4 =	vand.u32 $0xFFFFFF80, v60  }
0x1fb: {  	v3 =	vor.u32 v3, v4  }
0x1fc: {  	v4 =	vperm.xlane v3, v0;
	_ =	sdelay $0x1  }
0x1fd: {  	v4 =	vadd.s32 v1, v4;
	_ =	sdelay $0x3  }
0x1fe: {  	s29 =	simm.s32 $0x100  }
0x1ff: {  	[tilespmem:s29], [sflag:$0x1] =	stream.indirect_vreg.gather [hbm4b:s2+s3], $0x80, v4, vm0, $0xb8;
	[tilespmem:$0x18100] =	vst v63  }
0x200: {  	s11 =	simm.s32 $0x900  }
0x201: {  	[tilespmem:s11], [sflag:$0x1] =	stream.indirect_vreg.gather [hbm4b:s4+s3], $0x80, v4, vm0, $0xb8;
	[tilespmem:$0x18100] =	vst v63  }
0x202: {  	s0 =	simm.s32 $0x1100  }
0x203: {  	[tilespmem:s0], [sflag:$0x1] =	stream.indirect_vreg.gather [hbm4b:s5+s3], $0x80, v4, vm0, $0xb8;
	[tilespmem:$0x18100] =	vst v63  }
0x204: {  	s11 =	simm.s32 $0x1900  }
0x205: {  	[tilespmem:s11], [sflag:$0x1] =	stream.indirect_vreg.gather [hbm4b:s6+s3], $0x80, v4, vm0, $0xb8;
	[tilespmem:$0x18100] =	vst v63  }
0x206: {  	s11 =	simm.s32 $0x2100  }
0x207: {  	[tilespmem:s11], [sflag:$0x1] =	stream.indirect_vreg.gather [hbm4b:s7+s3], $0x80, v4, vm0, $0xb8;
	[tilespmem:$0x18100] =	vst v63  }
0x208: {  	v3 =	vperm.xlane v3, v2;
	s11 =	simm.s32 $0x2900  }
0x209: {  	[tilespmem:s11], [sflag:$0x1] =	stream.indirect_vreg.gather [hbm4b:s8+s3], $0x80, v4, vm0, $0xb8;
	[tilespmem:$0x18100] =	vst v63  }
0x20a: {  	v3 =	vadd.s32 v1, v3;
	s11 =	simm.s32 $0x3100  }
0x20b: {  	[tilespmem:s11], [sflag:$0x1] =	stream.indirect_vreg.gather [hbm4b:s9+s3], $0x80, v4, vm0, $0xb8;
	[tilespmem:$0x18100] =	vst v63  }
0x20c: {  	s11 =	simm.s32 $0x3900  }
0x20d: {  	[tilespmem:s11], [sflag:$0x1] =	stream.indirect_vreg.gather [hbm4b:s10+s3], $0x80, v4, vm0, $0xb8;
	[tilespmem:$0x18100] =	vst v63  }
0x20e: {  	s11 =	simm.s32 $0x4100  }
0x20f: {  	[tilespmem:s11], [sflag:$0x1] =	stream.indirect_vreg.gather [hbm4b:s2+s3], $0x80, v3, vm0, $0xb8;
	[tilespmem:$0x18100] =	vst v63  }
0x210: {  	s11 =	simm.s32 $0x4900  }
0x211: {  	[tilespmem:s11], [sflag:$0x1] =	stream.indirect_vreg.gather [hbm4b:s4+s3], $0x80, v3, vm0, $0xb8;
	[tilespmem:$0x18100] =	vst v63  }
0x212: {  	s11 =	simm.s32 $0x5100  }
0x213: {  	[tilespmem:s11], [sflag:$0x1] =	stream.indirect_vreg.gather [hbm4b:s5+s3], $0x80, v3, vm0, $0xb8;
	[tilespmem:$0x18100] =	vst v63  }
0x214: {  	s11 =	simm.s32 $0x5900  }
0x215: {  	[tilespmem:s11], [sflag:$0x1] =	stream.indirect_vreg.gather [hbm4b:s6+s3], $0x80, v3, vm0, $0xb8;
	[tilespmem:$0x18100] =	vst v63  }
0x216: {  	s11 =	simm.s32 $0x6100  }
0x217: {  	[tilespmem:s11], [sflag:$0x1] =	stream.indirect_vreg.gather [hbm4b:s7+s3], $0x80, v3, vm0, $0xb8;
	[tilespmem:$0x18100] =	vst v63  }
0x218: {  	s11 =	simm.s32 $0x6900  }
0x219: {  	[tilespmem:s11], [sflag:$0x1] =	stream.indirect_vreg.gather [hbm4b:s8+s3], $0x80, v3, vm0, $0xb8;
	[tilespmem:$0x18100] =	vst v63  }
0x21a: {  	s11 =	simm.s32 $0x7100  }
0x21b: {  	[tilespmem:s11], [sflag:$0x1] =	stream.indirect_vreg.gather [hbm4b:s9+s3], $0x80, v3, vm0, $0xb8;
	[tilespmem:$0x18100] =	vst v63  }
0x21c: {  	s11 =	simm.s32 $0x7900  }
0x21d: {  	[tilespmem:s11], [sflag:$0x1] =	stream.indirect_vreg.gather [hbm4b:s10+s3], $0x80, v3, vm0, $0xb8;
	[tilespmem:$0x18100] =	vst v63  }
0x21e: {  	_ =	swait.ge [sflag:s31], $0x8000  }
0x21f: {  	[sflag:s31] =	ssyncset.done $0x0  }
0x220: {  	[sflag:s31] =	ssyncadd.s32 $0xFFFF8000  }
0x221: {  	v3 =	vld [tilespmem:$0xD0];
	_ =	sdelay $0x4  }
0x222: {  	v61 =	vshll.u32 v3, $0x4  }
0x223: {  	v3 =	vand.u32 $0x7, v3;
	v4 =	vand.u32 $0xFFFFFF80, v61  }
0x224: {  	v3 =	vor.u32 v3, v4  }
0x225: {  	v4 =	vperm.xlane v3, v0;
	_ =	sdelay $0x1  }
0x226: {  	v4 =	vadd.s32 v1, v4;
	_ =	sdelay $0x3  }
0x227: {  	s11 =	simm.s32 $0x8100  }
0x228: {  	[tilespmem:s11], [sflag:$0x2] =	stream.indirect_vreg.gather [hbm4b:s2+s3], $0x80, v4, vm0, $0xb8;
	[tilespmem:$0x18100] =	vst v63  }
0x229: {  	s11 =	simm.s32 $0x8900  }
0x22a: {  	[tilespmem:s11], [sflag:$0x2] =	stream.indirect_vreg.gather [hbm4b:s4+s3], $0x80, v4, vm0, $0xb8;
	[tilespmem:$0x18100] =	vst v63  }
0x22b: {  	s11 =	simm.s32 $0x9100  }
0x22c: {  	[tilespmem:s11], [sflag:$0x2] =	stream.indirect_vreg.gather [hbm4b:s5+s3], $0x80, v4, vm0, $0xb8;
	[tilespmem:$0x18100] =	vst v63  }
0x22d: {  	s11 =	simm.s32 $0x9900  }
0x22e: {  	[tilespmem:s11], [sflag:$0x2] =	stream.indirect_vreg.gather [hbm4b:s6+s3], $0x80, v4, vm0, $0xb8;
	[tilespmem:$0x18100] =	vst v63  }
0x22f: {  	s11 =	simm.s32 $0xA100  }
0x230: {  	[tilespmem:s11], [sflag:$0x2] =	stream.indirect_vreg.gather [hbm4b:s7+s3], $0x80, v4, vm0, $0xb8;
	[tilespmem:$0x18100] =	vst v63  }
0x231: {  	v3 =	vperm.xlane v3, v2;
	s11 =	simm.s32 $0xA900  }
0x232: {  	[tilespmem:s11], [sflag:$0x2] =	stream.indirect_vreg.gather [hbm4b:s8+s3], $0x80, v4, vm0, $0xb8;
	[tilespmem:$0x18100] =	vst v63  }
0x233: {  	v3 =	vadd.s32 v1, v3;
	s11 =	simm.s32 $0xB100  }
0x234: {  	[tilespmem:s11], [sflag:$0x2] =	stream.indirect_vreg.gather [hbm4b:s9+s3], $0x80, v4, vm0, $0xb8;
	[tilespmem:$0x18100] =	vst v63  }
0x235: {  	s11 =	simm.s32 $0xB900  }
0x236: {  	[tilespmem:s11], [sflag:$0x2] =	stream.indirect_vreg.gather [hbm4b:s10+s3], $0x80, v4, vm0, $0xb8;
	[tilespmem:$0x18100] =	vst v63  }
0x237: {  	s11 =	simm.s32 $0xC100  }
0x238: {  	[tilespmem:s11], [sflag:$0x2] =	stream.indirect_vreg.gather [hbm4b:s2+s3], $0x80, v3, vm0, $0xb8;
	[tilespmem:$0x18100] =	vst v63  }
0x239: {  	s11 =	simm.s32 $0xC900  }
0x23a: {  	[tilespmem:s11], [sflag:$0x2] =	stream.indirect_vreg.gather [hbm4b:s4+s3], $0x80, v3, vm0, $0xb8;
	[tilespmem:$0x18100] =	vst v63  }
0x23b: {  	s17 =	simm.s32 $0xD100  }
0x23c: {  	[tilespmem:s17], [sflag:$0x2] =	stream.indirect_vreg.gather [hbm4b:s5+s3], $0x80, v3, vm0, $0xb8;
	[tilespmem:$0x18100] =	vst v63  }
0x23d: {  	s18 =	simm.s32 $0xD900  }
0x23e: {  	[tilespmem:s18], [sflag:$0x2] =	stream.indirect_vreg.gather [hbm4b:s6+s3], $0x80, v3, vm0, $0xb8;
	[tilespmem:$0x18100] =	vst v63  }
0x23f: {  	s19 =	simm.s32 $0xE100  }
0x240: {  	[tilespmem:s19], [sflag:$0x2] =	stream.indirect_vreg.gather [hbm4b:s7+s3], $0x80, v3, vm0, $0xb8;
	[tilespmem:$0x18100] =	vst v63  }
0x241: {  	s20 =	simm.s32 $0xE900  }
0x242: {  	[tilespmem:s20], [sflag:$0x2] =	stream.indirect_vreg.gather [hbm4b:s8+s3], $0x80, v3, vm0, $0xb8;
	[tilespmem:$0x18100] =	vst v63  }
0x243: {  	s21 =	simm.s32 $0xF100  }
0x244: {  	[tilespmem:s21], [sflag:$0x2] =	stream.indirect_vreg.gather [hbm4b:s9+s3], $0x80, v3, vm0, $0xb8;
	[tilespmem:$0x18100] =	vst v63  }
0x245: {  	s19 =	simm.s32 $0xF900  }
0x246: {  	[tilespmem:s19], [sflag:$0x2] =	stream.indirect_vreg.gather [hbm4b:s10+s3], $0x80, v3, vm0, $0xb8;
	[tilespmem:$0x18100] =	vst v63  }
0x247: {  	_ =	swait.ge [sflag:s1], $0x8000  }
0x248: {  	[sflag:s1] =	ssyncset.done $0x0  }
0x249: {  	[sflag:s1] =	ssyncadd.s32 $0xFFFF8000  }
0x24a: {  	v3 =	vld [tilespmem:$0xE0];
	_ =	sdelay $0x4  }
0x24b: {  	v62 =	vshll.u32 v3, $0x4  }
0x24c: {  	v3 =	vand.u32 $0x7, v3;
	v4 =	vand.u32 $0xFFFFFF80, v62  }
0x24d: {  	v3 =	vor.u32 v3, v4  }
0x24e: {  	v4 =	vperm.xlane v3, v0;
	_ =	sdelay $0x1  }
0x24f: {  	v4 =	vadd.s32 v1, v4;
	_ =	sdelay $0x3  }
0x250: {  	s20 =	simm.s32 $0x10100  }
0x251: {  	[tilespmem:s20], [sflag:$0x3] =	stream.indirect_vreg.gather [hbm4b:s2+s3], $0x80, v4, vm0, $0xb8;
	[tilespmem:$0x18100] =	vst v63  }
0x252: {  	s21 =	simm.s32 $0x10900  }
0x253: {  	[tilespmem:s21], [sflag:$0x3] =	stream.indirect_vreg.gather [hbm4b:s4+s3], $0x80, v4, vm0, $0xb8;
	[tilespmem:$0x18100] =	vst v63  }
0x254: {  	s22 =	simm.s32 $0x11100  }
0x255: {  	[tilespmem:s22], [sflag:$0x3] =	stream.indirect_vreg.gather [hbm4b:s5+s3], $0x80, v4, vm0, $0xb8;
	[tilespmem:$0x18100] =	vst v63  }
0x256: {  	s23 =	simm.s32 $0x11900  }
0x257: {  	[tilespmem:s23], [sflag:$0x3] =	stream.indirect_vreg.gather [hbm4b:s6+s3], $0x80, v4, vm0, $0xb8;
	[tilespmem:$0x18100] =	vst v63  }
0x258: {  	s22 =	simm.s32 $0x12100  }
0x259: {  	[tilespmem:s22], [sflag:$0x3] =	stream.indirect_vreg.gather [hbm4b:s7+s3], $0x80, v4, vm0, $0xb8;
	[tilespmem:$0x18100] =	vst v63  }
0x25a: {  	v3 =	vperm.xlane v3, v2;
	s23 =	simm.s32 $0x12900  }
0x25b: {  	[tilespmem:s23], [sflag:$0x3] =	stream.indirect_vreg.gather [hbm4b:s8+s3], $0x80, v4, vm0, $0xb8;
	[tilespmem:$0x18100] =	vst v63  }
0x25c: {  	s24 =	simm.s32 $0x13100;
	v3 =	vadd.s32 v1, v3  }
0x25d: {  	[tilespmem:s24], [sflag:$0x3] =	stream.indirect_vreg.gather [hbm4b:s9+s3], $0x80, v4, vm0, $0xb8;
	[tilespmem:$0x18100] =	vst v63  }
0x25e: {  	s25 =	simm.s32 $0x13900  }
0x25f: {  	[tilespmem:s25], [sflag:$0x3] =	stream.indirect_vreg.gather [hbm4b:s10+s3], $0x80, v4, vm0, $0xb8;
	[tilespmem:$0x18100] =	vst v63  }
0x260: {  	s26 =	simm.s32 $0x14100  }
0x261: {  	[tilespmem:s26], [sflag:$0x3] =	stream.indirect_vreg.gather [hbm4b:s2+s3], $0x80, v3, vm0, $0xb8;
	[tilespmem:$0x18100] =	vst v63  }
0x262: {  	s28 =	simm.s32 $0x14900  }
0x263: {  	[tilespmem:s28], [sflag:$0x3] =	stream.indirect_vreg.gather [hbm4b:s4+s3], $0x80, v3, vm0, $0xb8;
	[tilespmem:$0x18100] =	vst v63  }
0x264: {  	s12 =	simm.s32 $0x15100  }
0x265: {  	[tilespmem:s12], [sflag:$0x3] =	stream.indirect_vreg.gather [hbm4b:s5+s3], $0x80, v3, vm0, $0xb8;
	[tilespmem:$0x18100] =	vst v63  }
0x266: {  	s13 =	simm.s32 $0x15900  }
0x267: {  	[tilespmem:s13], [sflag:$0x3] =	stream.indirect_vreg.gather [hbm4b:s6+s3], $0x80, v3, vm0, $0xb8;
	[tilespmem:$0x18100] =	vst v63  }
0x268: {  	s14 =	simm.s32 $0x16100  }
0x269: {  	[tilespmem:s14], [sflag:$0x3] =	stream.indirect_vreg.gather [hbm4b:s7+s3], $0x80, v3, vm0, $0xb8;
	[tilespmem:$0x18100] =	vst v63  }
0x26a: {  	s15 =	simm.s32 $0x16900  }
0x26b: {  	[tilespmem:s15], [sflag:$0x3] =	stream.indirect_vreg.gather [hbm4b:s8+s3], $0x80, v3, vm0, $0xb8;
	[tilespmem:$0x18100] =	vst v63  }
0x26c: {  	s16 =	simm.s32 $0x17100  }
0x26d: {  	[tilespmem:s16], [sflag:$0x3] =	stream.indirect_vreg.gather [hbm4b:s9+s3], $0x80, v3, vm0, $0xb8;
	[tilespmem:$0x18100] =	vst v63  }
0x26e: {  	s26 =	simm.s32 $0x17900  }
0x26f: {  	[tilespmem:s26], [sflag:$0x3] =	stream.indirect_vreg.gather [hbm4b:s10+s3], $0x80, v3, vm0, $0xb8;
	[tilespmem:$0x18100] =	vst v63  }
0x270: {  	_ =	swait.ge [sflag:s30], $0x8000  }
0x271: {  	[sflag:s30] =	ssyncset.done $0x0  }
0x272: {  	[sflag:s30] =	ssyncadd.s32 $0xFFFF8000  }
0x273: {  	v3 =	vld [tilespmem:$0xF0];
	_ =	sdelay $0x4  }
0x274: {  	v63 =	vshll.u32 v3, $0x4  }
0x275: {  	v3 =	vand.u32 $0x7, v3;
	v4 =	vand.u32 $0xFFFFFF80, v63  }
0x276: {  	v3 =	vor.u32 v3, v4  }
0x277: {  	v4 =	vperm.xlane v3, v0;
	_ =	sdelay $0x1  }
0x278: {  	v4 =	vadd.s32 v1, v4;
	_ =	sdelay $0x3  }
0x279: {  	s29 =	simm.s32 $0x100  }
0x27a: {  	[tilespmem:s29], [sflag:$0x1] =	stream.indirect_vreg.gather [hbm4b:s2+s3], $0x80, v4, vm0, $0xb8;
	[tilespmem:$0x18100] =	vst v63  }
0x27b: {  	s28 =	simm.s32 $0x900  }
0x27c: {  	[tilespmem:s28], [sflag:$0x1] =	stream.indirect_vreg.gather [hbm4b:s4+s3], $0x80, v4, vm0, $0xb8;
	[tilespmem:$0x18100] =	vst v63  }
0x27d: {  	_ = 	snop  }
0x27e: {  	[tilespmem:s0], [sflag:$0x1] =	stream.indirect_vreg.gather [hbm4b:s5+s3], $0x80, v4, vm0, $0xb8;
	[tilespmem:$0x18100] =	vst v63  }
0x27f: {  	s12 =	simm.s32 $0x1900  }
0x280: {  	[tilespmem:s12], [sflag:$0x1] =	stream.indirect_vreg.gather [hbm4b:s6+s3], $0x80, v4, vm0, $0xb8;
	[tilespmem:$0x18100] =	vst v63  }
0x281: {  	s14 =	simm.s32 $0x2100  }
0x282: {  	[tilespmem:s14], [sflag:$0x1] =	stream.indirect_vreg.gather [hbm4b:s7+s3], $0x80, v4, vm0, $0xb8;
	[tilespmem:$0x18100] =	vst v63  }
0x283: {  	s15 =	simm.s32 $0x2900;
	v3 =	vperm.xlane v3, v2  }
0x284: {  	[tilespmem:s15], [sflag:$0x1] =	stream.indirect_vreg.gather [hbm4b:s8+s3], $0x80, v4, vm0, $0xb8;
	[tilespmem:$0x18100] =	vst v63  }
0x285: {  	s16 =	simm.s32 $0x3100;
	v3 =	vadd.s32 v1, v3  }
0x286: {  	[tilespmem:s16], [sflag:$0x1] =	stream.indirect_vreg.gather [hbm4b:s9+s3], $0x80, v4, vm0, $0xb8;
	[tilespmem:$0x18100] =	vst v63  }
0x287: {  	s17 =	simm.s32 $0x3900  }
0x288: {  	[tilespmem:s17], [sflag:$0x1] =	stream.indirect_vreg.gather [hbm4b:s10+s3], $0x80, v4, vm0, $0xb8;
	[tilespmem:$0x18100] =	vst v63  }
0x289: {  	s18 =	simm.s32 $0x4100  }
0x28a: {  	[tilespmem:s18], [sflag:$0x1] =	stream.indirect_vreg.gather [hbm4b:s2+s3], $0x80, v3, vm0, $0xb8;
	[tilespmem:$0x18100] =	vst v63  }
0x28b: {  	s19 =	simm.s32 $0x4900  }
0x28c: {  	[tilespmem:s19], [sflag:$0x1] =	stream.indirect_vreg.gather [hbm4b:s4+s3], $0x80, v3, vm0, $0xb8;
	[tilespmem:$0x18100] =	vst v63  }
0x28d: {  	s20 =	simm.s32 $0x5100  }
0x28e: {  	[tilespmem:s20], [sflag:$0x1] =	stream.indirect_vreg.gather [hbm4b:s5+s3], $0x80, v3, vm0, $0xb8;
	[tilespmem:$0x18100] =	vst v63  }
0x28f: {  	s21 =	simm.s32 $0x5900  }
0x290: {  	[tilespmem:s21], [sflag:$0x1] =	stream.indirect_vreg.gather [hbm4b:s6+s3], $0x80, v3, vm0, $0xb8;
	[tilespmem:$0x18100] =	vst v63  }
0x291: {  	s22 =	simm.s32 $0x6100  }
0x292: {  	[tilespmem:s22], [sflag:$0x1] =	stream.indirect_vreg.gather [hbm4b:s7+s3], $0x80, v3, vm0, $0xb8;
	[tilespmem:$0x18100] =	vst v63  }
0x293: {  	s23 =	simm.s32 $0x6900  }
0x294: {  	[tilespmem:s23], [sflag:$0x1] =	stream.indirect_vreg.gather [hbm4b:s8+s3], $0x80, v3, vm0, $0xb8;
	[tilespmem:$0x18100] =	vst v63  }
0x295: {  	s24 =	simm.s32 $0x7100  }
0x296: {  	[tilespmem:s24], [sflag:$0x1] =	stream.indirect_vreg.gather [hbm4b:s9+s3], $0x80, v3, vm0, $0xb8;
	[tilespmem:$0x18100] =	vst v63  }
0x297: {  	s25 =	simm.s32 $0x7900  }
0x298: {  	[tilespmem:s25], [sflag:$0x1] =	stream.indirect_vreg.gather [hbm4b:s10+s3], $0x80, v3, vm0, $0xb8;
	[tilespmem:$0x18100] =	vst v63  }
0x299: {  	s13 =	rddreg [dreg:$0x6];
	_ =	swait.ge [sflag:s31], $0x8000  }
0x29a: {  	[sflag:s31] =	ssyncset.done $0x0  }
0x29b: {  	[sflag:s31] =	ssyncadd.s32 $0xFFFF8000  }
0x29c: {  	_ =	swait.ge [sflag:s1], $0x8000  }
0x29d: {  	[sflag:s1] =	ssyncset.done $0x0  }
0x29e: {  	[sflag:s1] =	ssyncadd.s32 $0xFFFF8000  }
0x29f: {  	_ =	swait.ge [sflag:s30], $0x8000  }
0x2a0: {  	p0 =	sne.s32 s13, $0x1;
	s28 =	simm.s32 $0x4;
	[sflag:s30] =	ssyncset.done $0x0  }
.Ltmp0:
0x2a1: {  	s26 =	rddreg [dreg:$0x5];
	[sflag:s30] =	ssyncadd.s32 $0xFFFF8000;
	(pc) =	sbr.rel @p0 .LBB2_1-.Ltmp0, $4  }
0x2a2: {  	[hbm4b:s26+s3] =	stream.linear.scatter [tilespmem:s29], [sflag:$0x4], $0x8000, $0x38;
	[tilespmem:$0x18100] =	vst v63  }
0x2a3: {  	_ =	swait.ge [sflag:s28], $0x8000  }
0x2a4: {  	s29 =	simm.s32 $0x4;
	[sflag:s28] =	ssyncset.done $0x0  }
0x2a5: {  	s11 =	sadd.s32 $0xFFFFFFFF, s13;
	[sflag:s29] =	ssyncadd.s32 $0xFFFF8000  }
0x2a6: {  	_ =	sfence.sel $0x180000  }
0x2a7: {  	[bflag:$0x0] =	sbarrier.arrive $0xFFFF  }
0x2a8: {  	_ =	strace $0x90000047  }
0x2a9: {  	s0 =	stileid.u32;
	[bflag:$0x2] =	sbarrier.arrive $0xFFFF  }
0x2aa: {  	p0 =	sne.s32 s0, $0x0;
	s0 =	rddreg [dreg:$0x3]  }
0x2ab: {  	s0 =	sadd.s32 @!p0 $0x100000, s0  }
0x2ac: {  	[sflag:s0] =	ssyncadd.tile.s32 @!p0 $0x1;
	_ =	shalt  }
.Lfunc_end2:
_tile_overlayer_lowered:
.L_overlay_start_2:
0x2ad: {  	(tag) =	ssettag $0x2  }
0x2ae: {  	s0 =	rddreg [dreg:$0x0];
	s2 =	stileid.u32  }
0x2af: {  	s1 =	rddreg [dreg:$0x1];
	p0 =	sne.s32 s2, $0x0  }
0x2b0: {  	s3 =	rddreg [dreg:$0x2];
	[bflag:$0x3] =	sbarrier.arrive $0xFFFF;
	s2 =	simm.s32 @!p0 $0x1C04  }
0x2b1: {  	[timem:s3], [sflag:s2] =	dma.local @!p0 [hbm:s0], s1  }
0x2b2: {  	s0 =	simm.s32 @!p0 $0x4  }
0x2b3: {  	_ =	swait.ge @!p0 [sflag:s0], s1  }
0x2b4: {  	s1 =	ssub.s32 @!p0 $0x0, s1;
	[sflag:s0] =	ssyncset.done @!p0 $0x0  }
0x2b5: {  	[sflag:s0] =	ssyncadd.s32 @!p0 s1  }
0x2b6: {  	[bflag:$0x3] =	sbarrier.arrive $0xFFFF  }
0x2b7: {  	_ =	shalt  }

</sc_bundles>
